<compile_context>
chip_gen: v7x
topology: tpu7x:2x2x1
jax: 0.10.2.dev20260603
libtpu: 0.0.44.dev20260713+nightly
codegen_flags: <defaults>
</compile_context>

<pallas_src>
import functools

import jax
import jax.numpy as jnp
from jax import lax
from jax.experimental import pallas as pl
from jax.experimental.pallas import tpu as pltpu
from jax.experimental.pallas import tpu_sc as plsc

NC = 2
NS = 16
NW = NC * NS
K = 128

F32 = jnp.float32


def _sc_mesh():
    return plsc.VectorSubcoreMesh(
        core_axis_name="c", subcore_axis_name="s", num_cores=NC, num_subcores=NS
    )


def _sc_hist(dst2d, ones_blk, zeros_h):
    C = dst2d.shape[0]
    NPAD = zeros_h.shape[0]
    rps = NPAD // NS
    n_pairs = pl.cdiv(C, 2 * NW)

    @functools.partial(
        pl.kernel,
        out_type=jax.ShapeDtypeStruct((NC * NPAD, 128), F32),
        mesh=_sc_mesh(),
        scratch_types=[
            pltpu.VMEM_SHARED((NPAD, 128), F32),
            pltpu.VMEM((K,), jnp.int32),
            pltpu.VMEM((K,), jnp.int32),
            pltpu.VMEM((K, 128), F32),
            pltpu.SemaphoreType.DMA,
            pltpu.SemaphoreType.DMA,
            pltpu.SemaphoreType.DMA,
            pltpu.SemaphoreType.DMA,
        ],
    )
    def k(dst_h, ones_h, zeros_hbm, out_h, acc, idx0, idx1, ones_v,
          s0, s1, si0, si1):
        cid = lax.axis_index("c")
        sid = lax.axis_index("s")
        wid = sid * NC + cid
        base = sid * rps
        pltpu.sync_copy(zeros_hbm.at[pl.ds(base, rps)], acc.at[pl.ds(base, rps)])
        pltpu.sync_copy(ones_h, ones_v)
        plsc.subcore_barrier()

        @pl.loop(0, n_pairs)
        def _(p):
            c0 = wid + (2 * p) * NW
            c1 = c0 + NW

            @pl.when(c1 < C)
            def _():
                i0 = pltpu.async_copy(dst_h.at[c0], idx0, si0)
                i1 = pltpu.async_copy(dst_h.at[c1], idx1, si1)
                i0.wait()
                e0 = pltpu.async_copy(ones_v, acc.at[idx0], s0, add=True)
                i1.wait()
                e1 = pltpu.async_copy(ones_v, acc.at[idx1], s1, add=True)
                e0.wait()
                e1.wait()

            @pl.when((c0 < C) & (c1 >= C))
            def _():
                pltpu.sync_copy(dst_h.at[c0], idx0)
                pltpu.sync_copy(ones_v, acc.at[idx0], add=True)

        plsc.subcore_barrier()
        pltpu.sync_copy(
            acc.at[pl.ds(base, rps)], out_h.at[pl.ds(cid * NPAD + base, rps)]
        )

    return k(dst2d, ones_blk, zeros_h)


def _sc_scatter(v, src2d, dst2d, zeros_h):
    C = src2d.shape[0]
    NPAD, D = zeros_h.shape
    rps = NPAD // NS
    n_iter = pl.cdiv(C, NW)

    n_pairs = pl.cdiv(C, 2 * NW)

    @functools.partial(
        pl.kernel,
        out_type=jax.ShapeDtypeStruct((NC * NPAD, D), F32),
        mesh=_sc_mesh(),
        scratch_types=[
            pltpu.VMEM_SHARED((NPAD, D), F32),
            pltpu.VMEM((K,), jnp.int32),
            pltpu.VMEM((K,), jnp.int32),
            pltpu.VMEM((K,), jnp.int32),
            pltpu.VMEM((K,), jnp.int32),
            pltpu.VMEM((K, D), F32),
            pltpu.VMEM((K, D), F32),
            pltpu.SemaphoreType.DMA,
            pltpu.SemaphoreType.DMA,
            pltpu.SemaphoreType.DMA,
            pltpu.SemaphoreType.DMA,
            pltpu.SemaphoreType.DMA,
            pltpu.SemaphoreType.DMA,
            pltpu.SemaphoreType.DMA,
            pltpu.SemaphoreType.DMA,
        ],
    )
    def k(v_h, src_h, dst_h, zeros_hbm, out_h, acc, isrc0, idst0, isrc1, idst1,
          r0, r1, s0, s1, s2, s3, si0, si1, si2, si3):
        cid = lax.axis_index("c")
        sid = lax.axis_index("s")
        wid = sid * NC + cid
        base = sid * rps
        pltpu.sync_copy(zeros_hbm.at[pl.ds(base, rps)], acc.at[pl.ds(base, rps)])
        plsc.subcore_barrier()

        @pl.loop(0, n_pairs)
        def _(p):
            c0 = wid + (2 * p) * NW
            c1 = c0 + NW

            @pl.when(c1 < C)
            def _():
                i0 = pltpu.async_copy(src_h.at[c0], isrc0, si0)
                i1 = pltpu.async_copy(dst_h.at[c0], idst0, si1)
                i2 = pltpu.async_copy(src_h.at[c1], isrc1, si2)
                i3 = pltpu.async_copy(dst_h.at[c1], idst1, si3)
                i0.wait()
                d0 = pltpu.async_copy(v_h.at[isrc0], r0, s0)
                i2.wait()
                d1 = pltpu.async_copy(v_h.at[isrc1], r1, s1)
                d0.wait()
                i1.wait()
                e0 = pltpu.async_copy(r0, acc.at[idst0], s2, add=True)
                d1.wait()
                i3.wait()
                e1 = pltpu.async_copy(r1, acc.at[idst1], s3, add=True)
                e0.wait()
                e1.wait()

            @pl.when((c0 < C) & (c1 >= C))
            def _():
                pltpu.sync_copy(src_h.at[c0], isrc0)
                pltpu.sync_copy(dst_h.at[c0], idst0)
                pltpu.sync_copy(v_h.at[isrc0], r0)
                pltpu.sync_copy(r0, acc.at[idst0], add=True)

        plsc.subcore_barrier()
        pltpu.sync_copy(
            acc.at[pl.ds(base, rps)], out_h.at[pl.ds(cid * NPAD + base, rps)]
        )

    return k(v, src2d, dst2d, zeros_h)


def _tc1(histp, x, rb):
    n = x.shape[0]
    grid = (n // rb,)

    def body(h_ref, x_ref, v1_ref, dinv_ref):
        deg = h_ref[0, :, 0:1] + h_ref[1, :, 0:1] + 1.0
        dinv = lax.rsqrt(deg)
        dinv_ref[...] = dinv
        v1_ref[...] = x_ref[...] * dinv

    return pl.pallas_call(
        body,
        grid=grid,
        in_specs=[
            pl.BlockSpec((NC, rb, 128), lambda i: (0, i, 0)),
            pl.BlockSpec((rb, 128), lambda i: (i, 0)),
        ],
        out_specs=[
            pl.BlockSpec((rb, 128), lambda i: (i, 0)),
            pl.BlockSpec((rb, 1), lambda i: (i, 0)),
        ],
        out_shape=[
            jax.ShapeDtypeStruct((n, 128), F32),
            jax.ShapeDtypeStruct((n, 1), F32),
        ],
    )(histp, x)


def _tc2(y1p, v1, dinv, W1, b1, W2, rb):
    n = v1.shape[0]
    grid = (n // rb,)

    def body(y_ref, v1_ref, dinv_ref, w1_ref, b1_ref, w2_ref, v2_ref):
        dinv = dinv_ref[...]
        t = (y_ref[0] + y_ref[1] + v1_ref[...]) * dinv
        h = jnp.dot(
            t, w1_ref[...], preferred_element_type=F32,
            precision=lax.Precision.HIGHEST,
        ) + b1_ref[...]
        h = jnp.maximum(h, 0.0)
        g = jnp.dot(
            h, w2_ref[...], preferred_element_type=F32,
            precision=lax.Precision.HIGHEST,
        )
        v2_ref[...] = g * dinv

    return pl.pallas_call(
        body,
        grid=grid,
        in_specs=[
            pl.BlockSpec((NC, rb, 128), lambda i: (0, i, 0)),
            pl.BlockSpec((rb, 128), lambda i: (i, 0)),
            pl.BlockSpec((rb, 1), lambda i: (i, 0)),
            pl.BlockSpec((128, 256), lambda i: (0, 0)),
            pl.BlockSpec((1, 256), lambda i: (0, 0)),
            pl.BlockSpec((256, 128), lambda i: (0, 0)),
        ],
        out_specs=pl.BlockSpec((rb, 128), lambda i: (i, 0)),
        out_shape=jax.ShapeDtypeStruct((n, 128), F32),
    )(y1p, v1, dinv, W1, b1, W2)


def _tc3(y2p, v2, dinv, b2, rb):
    n = v2.shape[0]
    grid = (n // rb,)

    def body(y_ref, v2_ref, dinv_ref, b2_ref, o_ref):
        o_ref[...] = (
            (y_ref[0] + y_ref[1] + v2_ref[...]) * dinv_ref[...] + b2_ref[...]
        )

    return pl.pallas_call(
        body,
        grid=grid,
        in_specs=[
            pl.BlockSpec((NC, rb, 128), lambda i: (0, i, 0)),
            pl.BlockSpec((rb, 128), lambda i: (i, 0)),
            pl.BlockSpec((rb, 1), lambda i: (i, 0)),
            pl.BlockSpec((1, 128), lambda i: (0, 0)),
        ],
        out_specs=pl.BlockSpec((rb, 128), lambda i: (i, 0)),
        out_shape=jax.ShapeDtypeStruct((n, 128), F32),
    )(y2p, v2, dinv, b2)


def kernel(x, edge_index, W1, b1, W2, b2):
    n = x.shape[0]
    e = edge_index.shape[1]
    assert e % K == 0
    c = e // K
    npad = ((n + NW * 8 - 1) // (NW * 8)) * (NW * 8)
    rb = 2000

    ei = edge_index.astype(jnp.int32)
    src2d = ei[0].reshape(c, K)
    dst2d = ei[1].reshape(c, K)
    zeros128 = jnp.zeros((npad, 128), F32)
    ones_blk = jnp.ones((K, 128), F32)
    b1r = b1.reshape(1, -1)
    b2r = b2.reshape(1, -1)

    histp = _sc_hist(dst2d, ones_blk, zeros128).reshape(NC, npad, 128)
    v1, dinv = _tc1(histp, x, rb)
    y1p = _sc_scatter(v1, src2d, dst2d, zeros128).reshape(NC, npad, 128)
    v2 = _tc2(y1p, v1, dinv, W1, b1r, W2, rb)
    y2p = _sc_scatter(v2, src2d, dst2d, zeros128).reshape(NC, npad, 128)
    out = _tc3(y2p, v2, dinv, b2r, rb)
    return out

# --- scband reference (transcript-rebuilt; emitter-appended) ---
"""Pipeline reference for scband-gcnlayers-5634997093219 (READ-ONLY COPY).

The authoritative reference and input builder live on the scoring server;
editing this copy changes nothing except your own understanding.
"""

import jax, jax.numpy as jnp
import numpy as np

N_NODES = 10000


def gcn_conv(x, edge_index, W, b):
    # PyG-style GCNConv: add self-loops, symmetric degree normalization,
    # linear transform, message passing via scatter-add, then bias.
    N = x.shape[0]
    src = edge_index[0]
    dst = edge_index[1]
    loop = jnp.arange(N, dtype=src.dtype)
    src = jnp.concatenate([src, loop])
    dst = jnp.concatenate([dst, loop])
    ew = jnp.ones(src.shape[0], dtype=x.dtype)
    deg = jax.ops.segment_sum(ew, dst, num_segments=N)
    dinv = jnp.where(deg > 0, jax.lax.rsqrt(jnp.maximum(deg, 1e-12)), 0.0)
    norm = dinv[src] * ew * dinv[dst]
    h = x @ W
    msg = h[src] * norm[:, None]
    out = jax.ops.segment_sum(msg, dst, num_segments=N)
    return out + b


def setup_inputs(seed: int = 0) -> dict:
    key = jax.random.key(seed)
    k1, k2, k3, k4, k5, k6 = jax.random.split(key, 6)
    x = jax.random.normal(k1, (N_NODES, 128), dtype=jnp.float32)
    edge_index = jax.random.randint(k2, (2, 320000), 0, N_NODES, dtype=jnp.int64)
    # Glorot-style init for GCNConv weights, zeros for bias (PyG default)
    W1 = jax.random.normal(k3, (128, 256), dtype=jnp.float32) * (1.0 / np.sqrt(128))
    b1 = jnp.zeros((256,), dtype=jnp.float32)
    W2 = jax.random.normal(k4, (256, 128), dtype=jnp.float32) * (1.0 / np.sqrt(256))
    b2 = jnp.zeros((128,), dtype=jnp.float32)
    return {"x": x, "edge_index": edge_index, "W1": W1, "b1": b1, "W2": W2, "b2": b2}


def reference(x, edge_index, W1, b1, W2, b2):
    # GCNLayers with hiddens=[128, 256, 128]:
    #   GCNConv(128->256) -> ReLU -> GCNConv(256->128)
    h = gcn_conv(x, edge_index, W1, b1)
    h = jax.nn.relu(h)
    out = gcn_conv(h, edge_index, W2, b2)
    return out

if __name__ == "__main__":
    import jax
    _d = setup_inputs()
    print(jax.jit(kernel)(*tuple(_d.values())))

</pallas_src>

<mosaic_0001>
#map = affine_map<(d0, d1) -> (0, 0)>
module attributes {stable_mosaic.version = 14 : i64} {
  func.func @k(%arg0: i32, %arg1: i32, %arg2: memref<10000x128xf32, #tpu.memory_space<hbm>>, %arg3: memref<2500x128xi32, #tpu.memory_space<hbm>>, %arg4: memref<2500x128xi32, #tpu.memory_space<hbm>>, %arg5: memref<10240x128xf32, #tpu.memory_space<hbm>>, %arg6: memref<20480x128xf32, #tpu.memory_space<hbm>>, %arg7: memref<10240x128xf32, #tpu.memory_space<vmem_shared>>, %arg8: memref<128xi32, #tpu.memory_space<vmem>>, %arg9: memref<128xi32, #tpu.memory_space<vmem>>, %arg10: memref<128xi32, #tpu.memory_space<vmem>>, %arg11: memref<128xi32, #tpu.memory_space<vmem>>, %arg12: memref<128x128xf32, #tpu.memory_space<vmem>>, %arg13: memref<128x128xf32, #tpu.memory_space<vmem>>, %arg14: memref<!tpu.dma_semaphore, #tpu.memory_space<semaphore_mem>>, %arg15: memref<!tpu.dma_semaphore, #tpu.memory_space<semaphore_mem>>, %arg16: memref<!tpu.dma_semaphore, #tpu.memory_space<semaphore_mem>>, %arg17: memref<!tpu.dma_semaphore, #tpu.memory_space<semaphore_mem>>, %arg18: memref<!tpu.dma_semaphore, #tpu.memory_space<semaphore_mem>>, %arg19: memref<!tpu.dma_semaphore, #tpu.memory_space<semaphore_mem>>, %arg20: memref<!tpu.dma_semaphore, #tpu.memory_space<semaphore_mem>>, %arg21: memref<!tpu.dma_semaphore, #tpu.memory_space<semaphore_mem>>) attributes {dimension_semantics = [#tpu.dimension_semantics<core_parallel>, #tpu.dimension_semantics<subcore_parallel>], iteration_bounds = array<i64: 2, 16>, scalar_prefetch = 0 : i64, scratch_operands = 15 : i64, tpu.core_type = #tpu.core_type<sc_vector_subcore>, window_params = [{transform_indices = #map}, {transform_indices = #map}, {transform_indices = #map}, {transform_indices = #map}, {transform_indices = #map}]} {
    %mul3A = arith.constant 2 : i32
    %mul3A_0 = arith.muli %arg1, %mul3A : i32
    %add3A = arith.addi %mul3A_0, %arg0 : i32
    %mul3A_1 = arith.constant 640 : i32
    %mul3A_2 = arith.muli %arg1, %mul3A_1 : i32
    "tpu.region"() ({
      %run_scoped3A = tpu.sem_alloc : memref<!tpu.dma_semaphore, #tpu.memory_space<semaphore_mem>>
      %dma_start3A = arith.constant 0 : i32
      %dma_start3A_11 = tpu.memref_slice %arg7[%mul3A_2, %dma_start3A] : memref<10240x128xf32, #tpu.memory_space<vmem_shared>> -> memref<640x128xf32, #tpu.memory_space<vmem_shared>>
      %dma_start3A_12 = arith.constant 0 : i32
      %dma_start3A_13 = tpu.memref_slice %arg5[%mul3A_2, %dma_start3A_12] : memref<10240x128xf32, #tpu.memory_space<hbm>> -> memref<640x128xf32, #tpu.memory_space<hbm>>
      tpu.enqueue_dma source(%dma_start3A_13 : memref<640x128xf32, #tpu.memory_space<hbm>>) target(%dma_start3A_11 : memref<640x128xf32, #tpu.memory_space<vmem_shared>>) target_semaphore(%run_scoped3A : memref<!tpu.dma_semaphore, #tpu.memory_space<semaphore_mem>>)
      %dma_wait3A = arith.constant 0 : i32
      %dma_wait3A_14 = tpu.memref_slice %arg7[%mul3A_2, %dma_wait3A] : memref<10240x128xf32, #tpu.memory_space<vmem_shared>> -> memref<640x128xf32, #tpu.memory_space<vmem_shared>>
      %dma_wait3A_15 = arith.constant 0 : i32
      %dma_wait3A_16 = tpu.memref_slice %arg5[%mul3A_2, %dma_wait3A_15] : memref<10240x128xf32, #tpu.memory_space<hbm>> -> memref<640x128xf32, #tpu.memory_space<hbm>>
      tpu.wait_dma2 semaphore(%run_scoped3A : memref<!tpu.dma_semaphore, #tpu.memory_space<semaphore_mem>>) src(%dma_wait3A_16 : memref<640x128xf32, #tpu.memory_space<hbm>>) dst(%dma_wait3A_14 : memref<640x128xf32, #tpu.memory_space<vmem_shared>>)
      tpu.yield
    }) : () -> ()
    %barrier3A = arith.constant 0 : index
    tpu.barrier barrier_id(%barrier3A)
    %scan3A = arith.constant 0 : i32
    %scan3A_3 = arith.constant 40 : i32
    %scan3A_4 = arith.addi %scan3A, %scan3A_3 : i32
    %scan3A_5 = arith.constant 1 : i32
    scf.for %scan3A_11 = %scan3A to %scan3A_4 step %scan3A_5  : i32 {
      %mul3A_12 = arith.constant 1 : i32
      %mul3A_13 = arith.muli %scan3A_11, %mul3A_12 : i32
      %add3A_14 = arith.constant 0 : i32
      %add3A_15 = arith.addi %add3A_14, %mul3A_13 : i32
      %mul3A_16 = arith.constant 2 : i32
      %mul3A_17 = arith.muli %mul3A_16, %add3A_15 : i32
      %mul3A_18 = arith.constant 32 : i32
      %mul3A_19 = arith.muli %mul3A_17, %mul3A_18 : i32
      %add3A_20 = arith.addi %add3A, %mul3A_19 : i32
      %add3A_21 = arith.constant 32 : i32
      %add3A_22 = arith.addi %add3A_20, %add3A_21 : i32
      %lt3A = arith.constant 2500 : i32
      %lt3A_23 = arith.cmpi slt, %add3A_22, %lt3A : i32
      %convert_element_type3A = arith.extui %lt3A_23 : i1 to i32
      %cond3A = arith.constant 0 : i32
      %cond3A_24 = arith.cmpi ne, %convert_element_type3A, %cond3A : i32
      scf.if %cond3A_24 {
        %dma_start3A = arith.constant 0 : i32
        %dma_start3A_31 = tpu.memref_slice %arg3[%add3A_20, %dma_start3A] : memref<2500x128xi32, #tpu.memory_space<hbm>> -> memref<1x128xi32, #tpu.memory_space<hbm>>
        %dma_start3A_32 = tpu.memref_squeeze %dma_start3A_31 : memref<1x128xi32, #tpu.memory_space<hbm>> -> memref<128xi32, #tpu.memory_space<hbm>>
        %dma_start3A_33 = arith.constant 0 : i32
        %dma_start3A_34 = tpu.memref_slice %arg3[%add3A_20, %dma_start3A_33] : memref<2500x128xi32, #tpu.memory_space<hbm>> -> memref<1x128xi32, #tpu.memory_space<hbm>>
        %dma_start3A_35 = tpu.memref_squeeze %dma_start3A_34 : memref<1x128xi32, #tpu.memory_space<hbm>> -> memref<128xi32, #tpu.memory_space<hbm>>
        tpu.enqueue_dma source(%dma_start3A_35 : memref<128xi32, #tpu.memory_space<hbm>>) target(%arg8 : memref<128xi32, #tpu.memory_space<vmem>>) target_semaphore(%arg18 : memref<!tpu.dma_semaphore, #tpu.memory_space<semaphore_mem>>)
        %dma_start3A_36 = arith.constant 0 : i32
        %dma_start3A_37 = tpu.memref_slice %arg4[%add3A_20, %dma_start3A_36] : memref<2500x128xi32, #tpu.memory_space<hbm>> -> memref<1x128xi32, #tpu.memory_space<hbm>>
        %dma_start3A_38 = tpu.memref_squeeze %dma_start3A_37 : memref<1x128xi32, #tpu.memory_space<hbm>> -> memref<128xi32, #tpu.memory_space<hbm>>
        %dma_start3A_39 = arith.constant 0 : i32
        %dma_start3A_40 = tpu.memref_slice %arg4[%add3A_20, %dma_start3A_39] : memref<2500x128xi32, #tpu.memory_space<hbm>> -> memref<1x128xi32, #tpu.memory_space<hbm>>
        %dma_start3A_41 = tpu.memref_squeeze %dma_start3A_40 : memref<1x128xi32, #tpu.memory_space<hbm>> -> memref<128xi32, #tpu.memory_space<hbm>>
        tpu.enqueue_dma source(%dma_start3A_41 : memref<128xi32, #tpu.memory_space<hbm>>) target(%arg9 : memref<128xi32, #tpu.memory_space<vmem>>) target_semaphore(%arg19 : memref<!tpu.dma_semaphore, #tpu.memory_space<semaphore_mem>>)
        %dma_start3A_42 = arith.constant 0 : i32
        %dma_start3A_43 = tpu.memref_slice %arg3[%add3A_22, %dma_start3A_42] : memref<2500x128xi32, #tpu.memory_space<hbm>> -> memref<1x128xi32, #tpu.memory_space<hbm>>
        %dma_start3A_44 = tpu.memref_squeeze %dma_start3A_43 : memref<1x128xi32, #tpu.memory_space<hbm>> -> memref<128xi32, #tpu.memory_space<hbm>>
        %dma_start3A_45 = arith.constant 0 : i32
        %dma_start3A_46 = tpu.memref_slice %arg3[%add3A_22, %dma_start3A_45] : memref<2500x128xi32, #tpu.memory_space<hbm>> -> memref<1x128xi32, #tpu.memory_space<hbm>>
        %dma_start3A_47 = tpu.memref_squeeze %dma_start3A_46 : memref<1x128xi32, #tpu.memory_space<hbm>> -> memref<128xi32, #tpu.memory_space<hbm>>
        tpu.enqueue_dma source(%dma_start3A_47 : memref<128xi32, #tpu.memory_space<hbm>>) target(%arg10 : memref<128xi32, #tpu.memory_space<vmem>>) target_semaphore(%arg20 : memref<!tpu.dma_semaphore, #tpu.memory_space<semaphore_mem>>)
        %dma_start3A_48 = arith.constant 0 : i32
        %dma_start3A_49 = tpu.memref_slice %arg4[%add3A_22, %dma_start3A_48] : memref<2500x128xi32, #tpu.memory_space<hbm>> -> memref<1x128xi32, #tpu.memory_space<hbm>>
        %dma_start3A_50 = tpu.memref_squeeze %dma_start3A_49 : memref<1x128xi32, #tpu.memory_space<hbm>> -> memref<128xi32, #tpu.memory_space<hbm>>
        %dma_start3A_51 = arith.constant 0 : i32
        %dma_start3A_52 = tpu.memref_slice %arg4[%add3A_22, %dma_start3A_51] : memref<2500x128xi32, #tpu.memory_space<hbm>> -> memref<1x128xi32, #tpu.memory_space<hbm>>
        %dma_start3A_53 = tpu.memref_squeeze %dma_start3A_52 : memref<1x128xi32, #tpu.memory_space<hbm>> -> memref<128xi32, #tpu.memory_space<hbm>>
        tpu.enqueue_dma source(%dma_start3A_53 : memref<128xi32, #tpu.memory_space<hbm>>) target(%arg11 : memref<128xi32, #tpu.memory_space<vmem>>) target_semaphore(%arg21 : memref<!tpu.dma_semaphore, #tpu.memory_space<semaphore_mem>>)
        %dma_wait3A = arith.constant 0 : i32
        %dma_wait3A_54 = tpu.memref_slice %arg3[%add3A_20, %dma_wait3A] : memref<2500x128xi32, #tpu.memory_space<hbm>> -> memref<1x128xi32, #tpu.memory_space<hbm>>
        %dma_wait3A_55 = tpu.memref_squeeze %dma_wait3A_54 : memref<1x128xi32, #tpu.memory_space<hbm>> -> memref<128xi32, #tpu.memory_space<hbm>>
        %dma_wait3A_56 = arith.constant 0 : i32
        %dma_wait3A_57 = tpu.memref_slice %arg3[%add3A_20, %dma_wait3A_56] : memref<2500x128xi32, #tpu.memory_space<hbm>> -> memref<1x128xi32, #tpu.memory_space<hbm>>
        %dma_wait3A_58 = tpu.memref_squeeze %dma_wait3A_57 : memref<1x128xi32, #tpu.memory_space<hbm>> -> memref<128xi32, #tpu.memory_space<hbm>>
        tpu.wait_dma2 semaphore(%arg18 : memref<!tpu.dma_semaphore, #tpu.memory_space<semaphore_mem>>) src(%dma_wait3A_58 : memref<128xi32, #tpu.memory_space<hbm>>) dst(%arg8 : memref<128xi32, #tpu.memory_space<vmem>>)
        %dma_start3A_59 = arith.constant 0 : i32
        %dma_start3A_60 = arith.constant 0 : i32
        %dma_start3A_61 = tpu.memref_slice %arg2[%dma_start3A_59, %dma_start3A_60] : memref<10000x128xf32, #tpu.memory_space<hbm>> -> memref<10000x128xf32, #tpu.memory_space<hbm>>
        tpu.enqueue_indirect_dma source(%dma_start3A_61 : memref<10000x128xf32, #tpu.memory_space<hbm>>) target(%arg12 : memref<128x128xf32, #tpu.memory_space<vmem>>) offsets(%arg8 : memref<128xi32, #tpu.memory_space<vmem>>) semaphore(%arg14 : memref<!tpu.dma_semaphore, #tpu.memory_space<semaphore_mem>>)
        %dma_wait3A_62 = arith.constant 0 : i32
        %dma_wait3A_63 = tpu.memref_slice %arg3[%add3A_22, %dma_wait3A_62] : memref<2500x128xi32, #tpu.memory_space<hbm>> -> memref<1x128xi32, #tpu.memory_space<hbm>>
        %dma_wait3A_64 = tpu.memref_squeeze %dma_wait3A_63 : memref<1x128xi32, #tpu.memory_space<hbm>> -> memref<128xi32, #tpu.memory_space<hbm>>
        %dma_wait3A_65 = arith.constant 0 : i32
        %dma_wait3A_66 = tpu.memref_slice %arg3[%add3A_22, %dma_wait3A_65] : memref<2500x128xi32, #tpu.memory_space<hbm>> -> memref<1x128xi32, #tpu.memory_space<hbm>>
        %dma_wait3A_67 = tpu.memref_squeeze %dma_wait3A_66 : memref<1x128xi32, #tpu.memory_space<hbm>> -> memref<128xi32, #tpu.memory_space<hbm>>
        tpu.wait_dma2 semaphore(%arg20 : memref<!tpu.dma_semaphore, #tpu.memory_space<semaphore_mem>>) src(%dma_wait3A_67 : memref<128xi32, #tpu.memory_space<hbm>>) dst(%arg10 : memref<128xi32, #tpu.memory_space<vmem>>)
        %dma_start3A_68 = arith.constant 0 : i32
        %dma_start3A_69 = arith.constant 0 : i32
        %dma_start3A_70 = tpu.memref_slice %arg2[%dma_start3A_68, %dma_start3A_69] : memref<10000x128xf32, #tpu.memory_space<hbm>> -> memref<10000x128xf32, #tpu.memory_space<hbm>>
        tpu.enqueue_indirect_dma source(%dma_start3A_70 : memref<10000x128xf32, #tpu.memory_space<hbm>>) target(%arg13 : memref<128x128xf32, #tpu.memory_space<vmem>>) offsets(%arg10 : memref<128xi32, #tpu.memory_space<vmem>>) semaphore(%arg15 : memref<!tpu.dma_semaphore, #tpu.memory_space<semaphore_mem>>)
        %dma_wait3A_71 = arith.constant 0 : i32
        %dma_wait3A_72 = arith.constant 0 : i32
        %dma_wait3A_73 = tpu.memref_slice %arg2[%dma_wait3A_71, %dma_wait3A_72] : memref<10000x128xf32, #tpu.memory_space<hbm>> -> memref<10000x128xf32, #tpu.memory_space<hbm>>
        tpu.wait_indirect_dma semaphore(%arg14 : memref<!tpu.dma_semaphore, #tpu.memory_space<semaphore_mem>>) src(%dma_wait3A_73 : memref<10000x128xf32, #tpu.memory_space<hbm>>) dst(%arg12 : memref<128x128xf32, #tpu.memory_space<vmem>>)
        %dma_wait3A_74 = arith.constant 0 : i32
        %dma_wait3A_75 = tpu.memref_slice %arg4[%add3A_20, %dma_wait3A_74] : memref<2500x128xi32, #tpu.memory_space<hbm>> -> memref<1x128xi32, #tpu.memory_space<hbm>>
        %dma_wait3A_76 = tpu.memref_squeeze %dma_wait3A_75 : memref<1x128xi32, #tpu.memory_space<hbm>> -> memref<128xi32, #tpu.memory_space<hbm>>
        %dma_wait3A_77 = arith.constant 0 : i32
        %dma_wait3A_78 = tpu.memref_slice %arg4[%add3A_20, %dma_wait3A_77] : memref<2500x128xi32, #tpu.memory_space<hbm>> -> memref<1x128xi32, #tpu.memory_space<hbm>>
        %dma_wait3A_79 = tpu.memref_squeeze %dma_wait3A_78 : memref<1x128xi32, #tpu.memory_space<hbm>> -> memref<128xi32, #tpu.memory_space<hbm>>
        tpu.wait_dma2 semaphore(%arg19 : memref<!tpu.dma_semaphore, #tpu.memory_space<semaphore_mem>>) src(%dma_wait3A_79 : memref<128xi32, #tpu.memory_space<hbm>>) dst(%arg9 : memref<128xi32, #tpu.memory_space<vmem>>)
        %dma_start3A_80 = arith.constant 0 : i32
        %dma_start3A_81 = arith.constant 0 : i32
        %dma_start3A_82 = tpu.memref_slice %arg7[%dma_start3A_80, %dma_start3A_81] : memref<10240x128xf32, #tpu.memory_space<vmem_shared>> -> memref<10240x128xf32, #tpu.memory_space<vmem_shared>>
        tpu.enqueue_indirect_dma source(%arg12 : memref<128x128xf32, #tpu.memory_space<vmem>>) target(%dma_start3A_82 : memref<10240x128xf32, #tpu.memory_space<vmem_shared>>) offsets(%arg9 : memref<128xi32, #tpu.memory_space<vmem>>) semaphore(%arg16 : memref<!tpu.dma_semaphore, #tpu.memory_space<semaphore_mem>>) {add = true}
        %dma_wait3A_83 = arith.constant 0 : i32
        %dma_wait3A_84 = arith.constant 0 : i32
        %dma_wait3A_85 = tpu.memref_slice %arg2[%dma_wait3A_83, %dma_wait3A_84] : memref<10000x128xf32, #tpu.memory_space<hbm>> -> memref<10000x128xf32, #tpu.memory_space<hbm>>
        tpu.wait_indirect_dma semaphore(%arg15 : memref<!tpu.dma_semaphore, #tpu.memory_space<semaphore_mem>>) src(%dma_wait3A_85 : memref<10000x128xf32, #tpu.memory_space<hbm>>) dst(%arg13 : memref<128x128xf32, #tpu.memory_space<vmem>>)
        %dma_wait3A_86 = arith.constant 0 : i32
        %dma_wait3A_87 = tpu.memref_slice %arg4[%add3A_22, %dma_wait3A_86] : memref<2500x128xi32, #tpu.memory_space<hbm>> -> memref<1x128xi32, #tpu.memory_space<hbm>>
        %dma_wait3A_88 = tpu.memref_squeeze %dma_wait3A_87 : memref<1x128xi32, #tpu.memory_space<hbm>> -> memref<128xi32, #tpu.memory_space<hbm>>
        %dma_wait3A_89 = arith.constant 0 : i32
        %dma_wait3A_90 = tpu.memref_slice %arg4[%add3A_22, %dma_wait3A_89] : memref<2500x128xi32, #tpu.memory_space<hbm>> -> memref<1x128xi32, #tpu.memory_space<hbm>>
        %dma_wait3A_91 = tpu.memref_squeeze %dma_wait3A_90 : memref<1x128xi32, #tpu.memory_space<hbm>> -> memref<128xi32, #tpu.memory_space<hbm>>
        tpu.wait_dma2 semaphore(%arg21 : memref<!tpu.dma_semaphore, #tpu.memory_space<semaphore_mem>>) src(%dma_wait3A_91 : memref<128xi32, #tpu.memory_space<hbm>>) dst(%arg11 : memref<128xi32, #tpu.memory_space<vmem>>)
        %dma_start3A_92 = arith.constant 0 : i32
        %dma_start3A_93 = arith.constant 0 : i32
        %dma_start3A_94 = tpu.memref_slice %arg7[%dma_start3A_92, %dma_start3A_93] : memref<10240x128xf32, #tpu.memory_space<vmem_shared>> -> memref<10240x128xf32, #tpu.memory_space<vmem_shared>>
        tpu.enqueue_indirect_dma source(%arg13 : memref<128x128xf32, #tpu.memory_space<vmem>>) target(%dma_start3A_94 : memref<10240x128xf32, #tpu.memory_space<vmem_shared>>) offsets(%arg11 : memref<128xi32, #tpu.memory_space<vmem>>) semaphore(%arg17 : memref<!tpu.dma_semaphore, #tpu.memory_space<semaphore_mem>>) {add = true}
        %dma_wait3A_95 = arith.constant 0 : i32
        %dma_wait3A_96 = arith.constant 0 : i32
        %dma_wait3A_97 = tpu.memref_slice %arg7[%dma_wait3A_95, %dma_wait3A_96] : memref<10240x128xf32, #tpu.memory_space<vmem_shared>> -> memref<10240x128xf32, #tpu.memory_space<vmem_shared>>
        tpu.wait_indirect_dma semaphore(%arg16 : memref<!tpu.dma_semaphore, #tpu.memory_space<semaphore_mem>>) src(%arg12 : memref<128x128xf32, #tpu.memory_space<vmem>>) dst(%dma_wait3A_97 : memref<10240x128xf32, #tpu.memory_space<vmem_shared>>)
        %dma_wait3A_98 = arith.constant 0 : i32
        %dma_wait3A_99 = arith.constant 0 : i32
        %dma_wait3A_100 = tpu.memref_slice %arg7[%dma_wait3A_98, %dma_wait3A_99] : memref<10240x128xf32, #tpu.memory_space<vmem_shared>> -> memref<10240x128xf32, #tpu.memory_space<vmem_shared>>
        tpu.wait_indirect_dma semaphore(%arg17 : memref<!tpu.dma_semaphore, #tpu.memory_space<semaphore_mem>>) src(%arg13 : memref<128x128xf32, #tpu.memory_space<vmem>>) dst(%dma_wait3A_100 : memref<10240x128xf32, #tpu.memory_space<vmem_shared>>)
      } else {
      }
      %lt3A_25 = arith.constant 2500 : i32
      %lt3A_26 = arith.cmpi slt, %add3A_20, %lt3A_25 : i32
      %ge3A = arith.constant 2500 : i32
      %ge3A_27 = arith.cmpi sge, %add3A_22, %ge3A : i32
      %and3A = arith.andi %lt3A_26, %ge3A_27 : i1
      %convert_element_type3A_28 = arith.extui %and3A : i1 to i32
      %cond3A_29 = arith.constant 0 : i32
      %cond3A_30 = arith.cmpi ne, %convert_element_type3A_28, %cond3A_29 : i32
      scf.if %cond3A_30 {
        "tpu.region"() ({
          %run_scoped3A = tpu.sem_alloc : memref<!tpu.dma_semaphore, #tpu.memory_space<semaphore_mem>>
          %dma_start3A = arith.constant 0 : i32
          %dma_start3A_31 = tpu.memref_slice %arg3[%add3A_20, %dma_start3A] : memref<2500x128xi32, #tpu.memory_space<hbm>> -> memref<1x128xi32, #tpu.memory_space<hbm>>
          %dma_start3A_32 = tpu.memref_squeeze %dma_start3A_31 : memref<1x128xi32, #tpu.memory_space<hbm>> -> memref<128xi32, #tpu.memory_space<hbm>>
          %dma_start3A_33 = arith.constant 0 : i32
          %dma_start3A_34 = tpu.memref_slice %arg3[%add3A_20, %dma_start3A_33] : memref<2500x128xi32, #tpu.memory_space<hbm>> -> memref<1x128xi32, #tpu.memory_space<hbm>>
          %dma_start3A_35 = tpu.memref_squeeze %dma_start3A_34 : memref<1x128xi32, #tpu.memory_space<hbm>> -> memref<128xi32, #tpu.memory_space<hbm>>
          tpu.enqueue_dma source(%dma_start3A_35 : memref<128xi32, #tpu.memory_space<hbm>>) target(%arg8 : memref<128xi32, #tpu.memory_space<vmem>>) target_semaphore(%run_scoped3A : memref<!tpu.dma_semaphore, #tpu.memory_space<semaphore_mem>>)
          %dma_wait3A = arith.constant 0 : i32
          %dma_wait3A_36 = tpu.memref_slice %arg3[%add3A_20, %dma_wait3A] : memref<2500x128xi32, #tpu.memory_space<hbm>> -> memref<1x128xi32, #tpu.memory_space<hbm>>
          %dma_wait3A_37 = tpu.memref_squeeze %dma_wait3A_36 : memref<1x128xi32, #tpu.memory_space<hbm>> -> memref<128xi32, #tpu.memory_space<hbm>>
          %dma_wait3A_38 = arith.constant 0 : i32
          %dma_wait3A_39 = tpu.memref_slice %arg3[%add3A_20, %dma_wait3A_38] : memref<2500x128xi32, #tpu.memory_space<hbm>> -> memref<1x128xi32, #tpu.memory_space<hbm>>
          %dma_wait3A_40 = tpu.memref_squeeze %dma_wait3A_39 : memref<1x128xi32, #tpu.memory_space<hbm>> -> memref<128xi32, #tpu.memory_space<hbm>>
          tpu.wait_dma2 semaphore(%run_scoped3A : memref<!tpu.dma_semaphore, #tpu.memory_space<semaphore_mem>>) src(%dma_wait3A_40 : memref<128xi32, #tpu.memory_space<hbm>>) dst(%arg8 : memref<128xi32, #tpu.memory_space<vmem>>)
          tpu.yield
        }) : () -> ()
        "tpu.region"() ({
          %run_scoped3A = tpu.sem_alloc : memref<!tpu.dma_semaphore, #tpu.memory_space<semaphore_mem>>
          %dma_start3A = arith.constant 0 : i32
          %dma_start3A_31 = tpu.memref_slice %arg4[%add3A_20, %dma_start3A] : memref<2500x128xi32, #tpu.memory_space<hbm>> -> memref<1x128xi32, #tpu.memory_space<hbm>>
          %dma_start3A_32 = tpu.memref_squeeze %dma_start3A_31 : memref<1x128xi32, #tpu.memory_space<hbm>> -> memref<128xi32, #tpu.memory_space<hbm>>
          %dma_start3A_33 = arith.constant 0 : i32
          %dma_start3A_34 = tpu.memref_slice %arg4[%add3A_20, %dma_start3A_33] : memref<2500x128xi32, #tpu.memory_space<hbm>> -> memref<1x128xi32, #tpu.memory_space<hbm>>
          %dma_start3A_35 = tpu.memref_squeeze %dma_start3A_34 : memref<1x128xi32, #tpu.memory_space<hbm>> -> memref<128xi32, #tpu.memory_space<hbm>>
          tpu.enqueue_dma source(%dma_start3A_35 : memref<128xi32, #tpu.memory_space<hbm>>) target(%arg9 : memref<128xi32, #tpu.memory_space<vmem>>) target_semaphore(%run_scoped3A : memref<!tpu.dma_semaphore, #tpu.memory_space<semaphore_mem>>)
          %dma_wait3A = arith.constant 0 : i32
          %dma_wait3A_36 = tpu.memref_slice %arg4[%add3A_20, %dma_wait3A] : memref<2500x128xi32, #tpu.memory_space<hbm>> -> memref<1x128xi32, #tpu.memory_space<hbm>>
          %dma_wait3A_37 = tpu.memref_squeeze %dma_wait3A_36 : memref<1x128xi32, #tpu.memory_space<hbm>> -> memref<128xi32, #tpu.memory_space<hbm>>
          %dma_wait3A_38 = arith.constant 0 : i32
          %dma_wait3A_39 = tpu.memref_slice %arg4[%add3A_20, %dma_wait3A_38] : memref<2500x128xi32, #tpu.memory_space<hbm>> -> memref<1x128xi32, #tpu.memory_space<hbm>>
          %dma_wait3A_40 = tpu.memref_squeeze %dma_wait3A_39 : memref<1x128xi32, #tpu.memory_space<hbm>> -> memref<128xi32, #tpu.memory_space<hbm>>
          tpu.wait_dma2 semaphore(%run_scoped3A : memref<!tpu.dma_semaphore, #tpu.memory_space<semaphore_mem>>) src(%dma_wait3A_40 : memref<128xi32, #tpu.memory_space<hbm>>) dst(%arg9 : memref<128xi32, #tpu.memory_space<vmem>>)
          tpu.yield
        }) : () -> ()
        "tpu.region"() ({
          %run_scoped3A = tpu.sem_alloc : memref<!tpu.dma_semaphore, #tpu.memory_space<semaphore_mem>>
          %dma_start3A = arith.constant 0 : i32
          %dma_start3A_31 = arith.constant 0 : i32
          %dma_start3A_32 = tpu.memref_slice %arg2[%dma_start3A, %dma_start3A_31] : memref<10000x128xf32, #tpu.memory_space<hbm>> -> memref<10000x128xf32, #tpu.memory_space<hbm>>
          tpu.enqueue_indirect_dma source(%dma_start3A_32 : memref<10000x128xf32, #tpu.memory_space<hbm>>) target(%arg12 : memref<128x128xf32, #tpu.memory_space<vmem>>) offsets(%arg8 : memref<128xi32, #tpu.memory_space<vmem>>) semaphore(%run_scoped3A : memref<!tpu.dma_semaphore, #tpu.memory_space<semaphore_mem>>)
          %dma_wait3A = arith.constant 0 : i32
          %dma_wait3A_33 = arith.constant 0 : i32
          %dma_wait3A_34 = tpu.memref_slice %arg2[%dma_wait3A, %dma_wait3A_33] : memref<10000x128xf32, #tpu.memory_space<hbm>> -> memref<10000x128xf32, #tpu.memory_space<hbm>>
          tpu.wait_indirect_dma semaphore(%run_scoped3A : memref<!tpu.dma_semaphore, #tpu.memory_space<semaphore_mem>>) src(%dma_wait3A_34 : memref<10000x128xf32, #tpu.memory_space<hbm>>) dst(%arg12 : memref<128x128xf32, #tpu.memory_space<vmem>>)
          tpu.yield
        }) : () -> ()
        "tpu.region"() ({
          %run_scoped3A = tpu.sem_alloc : memref<!tpu.dma_semaphore, #tpu.memory_space<semaphore_mem>>
          %dma_start3A = arith.constant 0 : i32
          %dma_start3A_31 = arith.constant 0 : i32
          %dma_start3A_32 = tpu.memref_slice %arg7[%dma_start3A, %dma_start3A_31] : memref<10240x128xf32, #tpu.memory_space<vmem_shared>> -> memref<10240x128xf32, #tpu.memory_space<vmem_shared>>
          tpu.enqueue_indirect_dma source(%arg12 : memref<128x128xf32, #tpu.memory_space<vmem>>) target(%dma_start3A_32 : memref<10240x128xf32, #tpu.memory_space<vmem_shared>>) offsets(%arg9 : memref<128xi32, #tpu.memory_space<vmem>>) semaphore(%run_scoped3A : memref<!tpu.dma_semaphore, #tpu.memory_space<semaphore_mem>>) {add = true}
          %dma_wait3A = arith.constant 0 : i32
          %dma_wait3A_33 = arith.constant 0 : i32
          %dma_wait3A_34 = tpu.memref_slice %arg7[%dma_wait3A, %dma_wait3A_33] : memref<10240x128xf32, #tpu.memory_space<vmem_shared>> -> memref<10240x128xf32, #tpu.memory_space<vmem_shared>>
          tpu.wait_indirect_dma semaphore(%run_scoped3A : memref<!tpu.dma_semaphore, #tpu.memory_space<semaphore_mem>>) src(%arg12 : memref<128x128xf32, #tpu.memory_space<vmem>>) dst(%dma_wait3A_34 : memref<10240x128xf32, #tpu.memory_space<vmem_shared>>)
          tpu.yield
        }) : () -> ()
      } else {
      }
    }
    %scan3A_6 = arith.constant 40 : i32
    %barrier3A_7 = arith.constant 0 : index
    tpu.barrier barrier_id(%barrier3A_7)
    %mul3A_8 = arith.constant 10240 : i32
    %mul3A_9 = arith.muli %arg0, %mul3A_8 : i32
    %add3A_10 = arith.addi %mul3A_9, %mul3A_2 : i32
    "tpu.region"() ({
      %run_scoped3A = tpu.sem_alloc : memref<!tpu.dma_semaphore, #tpu.memory_space<semaphore_mem>>
      %dma_start3A = arith.constant 0 : i32
      %dma_start3A_11 = tpu.memref_slice %arg6[%add3A_10, %dma_start3A] : memref<20480x128xf32, #tpu.memory_space<hbm>> -> memref<640x128xf32, #tpu.memory_space<hbm>>
      %dma_start3A_12 = arith.constant 0 : i32
      %dma_start3A_13 = tpu.memref_slice %arg7[%mul3A_2, %dma_start3A_12] : memref<10240x128xf32, #tpu.memory_space<vmem_shared>> -> memref<640x128xf32, #tpu.memory_space<vmem_shared>>
      tpu.enqueue_dma source(%dma_start3A_13 : memref<640x128xf32, #tpu.memory_space<vmem_shared>>) target(%dma_start3A_11 : memref<640x128xf32, #tpu.memory_space<hbm>>) target_semaphore(%run_scoped3A : memref<!tpu.dma_semaphore, #tpu.memory_space<semaphore_mem>>)
      %dma_wait3A = arith.constant 0 : i32
      %dma_wait3A_14 = tpu.memref_slice %arg6[%add3A_10, %dma_wait3A] : memref<20480x128xf32, #tpu.memory_space<hbm>> -> memref<640x128xf32, #tpu.memory_space<hbm>>
      %dma_wait3A_15 = arith.constant 0 : i32
      %dma_wait3A_16 = tpu.memref_slice %arg7[%mul3A_2, %dma_wait3A_15] : memref<10240x128xf32, #tpu.memory_space<vmem_shared>> -> memref<640x128xf32, #tpu.memory_space<vmem_shared>>
      tpu.wait_dma2 semaphore(%run_scoped3A : memref<!tpu.dma_semaphore, #tpu.memory_space<semaphore_mem>>) src(%dma_wait3A_16 : memref<640x128xf32, #tpu.memory_space<vmem_shared>>) dst(%dma_wait3A_14 : memref<640x128xf32, #tpu.memory_space<hbm>>)
      tpu.yield
    }) : () -> ()
    return
  }
}

#map = affine_map<(d0, d1) -> (0, 0)>
module attributes {stable_mosaic.version = 14 : i64} {
  func.func @k(%arg0: i32, %arg1: i32, %arg2: memref<2500x128xi32, #tpu.memory_space<hbm>>, %arg3: memref<128x128xf32, #tpu.memory_space<hbm>>, %arg4: memref<10240x128xf32, #tpu.memory_space<hbm>>, %arg5: memref<20480x128xf32, #tpu.memory_space<hbm>>, %arg6: memref<10240x128xf32, #tpu.memory_space<vmem_shared>>, %arg7: memref<128xi32, #tpu.memory_space<vmem>>, %arg8: memref<128xi32, #tpu.memory_space<vmem>>, %arg9: memref<128x128xf32, #tpu.memory_space<vmem>>, %arg10: memref<!tpu.dma_semaphore, #tpu.memory_space<semaphore_mem>>, %arg11: memref<!tpu.dma_semaphore, #tpu.memory_space<semaphore_mem>>, %arg12: memref<!tpu.dma_semaphore, #tpu.memory_space<semaphore_mem>>, %arg13: memref<!tpu.dma_semaphore, #tpu.memory_space<semaphore_mem>>) attributes {dimension_semantics = [#tpu.dimension_semantics<core_parallel>, #tpu.dimension_semantics<subcore_parallel>], iteration_bounds = array<i64: 2, 16>, scalar_prefetch = 0 : i64, scratch_operands = 8 : i64, tpu.core_type = #tpu.core_type<sc_vector_subcore>, window_params = [{transform_indices = #map}, {transform_indices = #map}, {transform_indices = #map}, {transform_indices = #map}]} {
    %mul3A = arith.constant 2 : i32
    %mul3A_0 = arith.muli %arg1, %mul3A : i32
    %add3A = arith.addi %mul3A_0, %arg0 : i32
    %mul3A_1 = arith.constant 640 : i32
    %mul3A_2 = arith.muli %arg1, %mul3A_1 : i32
    "tpu.region"() ({
      %run_scoped3A = tpu.sem_alloc : memref<!tpu.dma_semaphore, #tpu.memory_space<semaphore_mem>>
      %dma_start3A = arith.constant 0 : i32
      %dma_start3A_11 = tpu.memref_slice %arg6[%mul3A_2, %dma_start3A] : memref<10240x128xf32, #tpu.memory_space<vmem_shared>> -> memref<640x128xf32, #tpu.memory_space<vmem_shared>>
      %dma_start3A_12 = arith.constant 0 : i32
      %dma_start3A_13 = tpu.memref_slice %arg4[%mul3A_2, %dma_start3A_12] : memref<10240x128xf32, #tpu.memory_space<hbm>> -> memref<640x128xf32, #tpu.memory_space<hbm>>
      tpu.enqueue_dma source(%dma_start3A_13 : memref<640x128xf32, #tpu.memory_space<hbm>>) target(%dma_start3A_11 : memref<640x128xf32, #tpu.memory_space<vmem_shared>>) target_semaphore(%run_scoped3A : memref<!tpu.dma_semaphore, #tpu.memory_space<semaphore_mem>>)
      %dma_wait3A = arith.constant 0 : i32
      %dma_wait3A_14 = tpu.memref_slice %arg6[%mul3A_2, %dma_wait3A] : memref<10240x128xf32, #tpu.memory_space<vmem_shared>> -> memref<640x128xf32, #tpu.memory_space<vmem_shared>>
      %dma_wait3A_15 = arith.constant 0 : i32
      %dma_wait3A_16 = tpu.memref_slice %arg4[%mul3A_2, %dma_wait3A_15] : memref<10240x128xf32, #tpu.memory_space<hbm>> -> memref<640x128xf32, #tpu.memory_space<hbm>>
      tpu.wait_dma2 semaphore(%run_scoped3A : memref<!tpu.dma_semaphore, #tpu.memory_space<semaphore_mem>>) src(%dma_wait3A_16 : memref<640x128xf32, #tpu.memory_space<hbm>>) dst(%dma_wait3A_14 : memref<640x128xf32, #tpu.memory_space<vmem_shared>>)
      tpu.yield
    }) : () -> ()
    "tpu.region"() ({
      %run_scoped3A = tpu.sem_alloc : memref<!tpu.dma_semaphore, #tpu.memory_space<semaphore_mem>>
      tpu.enqueue_dma source(%arg3 : memref<128x128xf32, #tpu.memory_space<hbm>>) target(%arg9 : memref<128x128xf32, #tpu.memory_space<vmem>>) target_semaphore(%run_scoped3A : memref<!tpu.dma_semaphore, #tpu.memory_space<semaphore_mem>>)
      tpu.wait_dma2 semaphore(%run_scoped3A : memref<!tpu.dma_semaphore, #tpu.memory_space<semaphore_mem>>) src(%arg3 : memref<128x128xf32, #tpu.memory_space<hbm>>) dst(%arg9 : memref<128x128xf32, #tpu.memory_space<vmem>>)
      tpu.yield
    }) : () -> ()
    %barrier3A = arith.constant 0 : index
    tpu.barrier barrier_id(%barrier3A)
    %scan3A = arith.constant 0 : i32
    %scan3A_3 = arith.constant 40 : i32
    %scan3A_4 = arith.addi %scan3A, %scan3A_3 : i32
    %scan3A_5 = arith.constant 1 : i32
    scf.for %scan3A_11 = %scan3A to %scan3A_4 step %scan3A_5  : i32 {
      %mul3A_12 = arith.constant 1 : i32
      %mul3A_13 = arith.muli %scan3A_11, %mul3A_12 : i32
      %add3A_14 = arith.constant 0 : i32
      %add3A_15 = arith.addi %add3A_14, %mul3A_13 : i32
      %mul3A_16 = arith.constant 2 : i32
      %mul3A_17 = arith.muli %mul3A_16, %add3A_15 : i32
      %mul3A_18 = arith.constant 32 : i32
      %mul3A_19 = arith.muli %mul3A_17, %mul3A_18 : i32
      %add3A_20 = arith.addi %add3A, %mul3A_19 : i32
      %add3A_21 = arith.constant 32 : i32
      %add3A_22 = arith.addi %add3A_20, %add3A_21 : i32
      %lt3A = arith.constant 2500 : i32
      %lt3A_23 = arith.cmpi slt, %add3A_22, %lt3A : i32
      %convert_element_type3A = arith.extui %lt3A_23 : i1 to i32
      %cond3A = arith.constant 0 : i32
      %cond3A_24 = arith.cmpi ne, %convert_element_type3A, %cond3A : i32
      scf.if %cond3A_24 {
        %dma_start3A = arith.constant 0 : i32
        %dma_start3A_31 = tpu.memref_slice %arg2[%add3A_20, %dma_start3A] : memref<2500x128xi32, #tpu.memory_space<hbm>> -> memref<1x128xi32, #tpu.memory_space<hbm>>
        %dma_start3A_32 = tpu.memref_squeeze %dma_start3A_31 : memref<1x128xi32, #tpu.memory_space<hbm>> -> memref<128xi32, #tpu.memory_space<hbm>>
        %dma_start3A_33 = arith.constant 0 : i32
        %dma_start3A_34 = tpu.memref_slice %arg2[%add3A_20, %dma_start3A_33] : memref<2500x128xi32, #tpu.memory_space<hbm>> -> memref<1x128xi32, #tpu.memory_space<hbm>>
        %dma_start3A_35 = tpu.memref_squeeze %dma_start3A_34 : memref<1x128xi32, #tpu.memory_space<hbm>> -> memref<128xi32, #tpu.memory_space<hbm>>
        tpu.enqueue_dma source(%dma_start3A_35 : memref<128xi32, #tpu.memory_space<hbm>>) target(%arg7 : memref<128xi32, #tpu.memory_space<vmem>>) target_semaphore(%arg12 : memref<!tpu.dma_semaphore, #tpu.memory_space<semaphore_mem>>)
        %dma_start3A_36 = arith.constant 0 : i32
        %dma_start3A_37 = tpu.memref_slice %arg2[%add3A_22, %dma_start3A_36] : memref<2500x128xi32, #tpu.memory_space<hbm>> -> memref<1x128xi32, #tpu.memory_space<hbm>>
        %dma_start3A_38 = tpu.memref_squeeze %dma_start3A_37 : memref<1x128xi32, #tpu.memory_space<hbm>> -> memref<128xi32, #tpu.memory_space<hbm>>
        %dma_start3A_39 = arith.constant 0 : i32
        %dma_start3A_40 = tpu.memref_slice %arg2[%add3A_22, %dma_start3A_39] : memref<2500x128xi32, #tpu.memory_space<hbm>> -> memref<1x128xi32, #tpu.memory_space<hbm>>
        %dma_start3A_41 = tpu.memref_squeeze %dma_start3A_40 : memref<1x128xi32, #tpu.memory_space<hbm>> -> memref<128xi32, #tpu.memory_space<hbm>>
        tpu.enqueue_dma source(%dma_start3A_41 : memref<128xi32, #tpu.memory_space<hbm>>) target(%arg8 : memref<128xi32, #tpu.memory_space<vmem>>) target_semaphore(%arg13 : memref<!tpu.dma_semaphore, #tpu.memory_space<semaphore_mem>>)
        %dma_wait3A = arith.constant 0 : i32
        %dma_wait3A_42 = tpu.memref_slice %arg2[%add3A_20, %dma_wait3A] : memref<2500x128xi32, #tpu.memory_space<hbm>> -> memref<1x128xi32, #tpu.memory_space<hbm>>
        %dma_wait3A_43 = tpu.memref_squeeze %dma_wait3A_42 : memref<1x128xi32, #tpu.memory_space<hbm>> -> memref<128xi32, #tpu.memory_space<hbm>>
        %dma_wait3A_44 = arith.constant 0 : i32
        %dma_wait3A_45 = tpu.memref_slice %arg2[%add3A_20, %dma_wait3A_44] : memref<2500x128xi32, #tpu.memory_space<hbm>> -> memref<1x128xi32, #tpu.memory_space<hbm>>
        %dma_wait3A_46 = tpu.memref_squeeze %dma_wait3A_45 : memref<1x128xi32, #tpu.memory_space<hbm>> -> memref<128xi32, #tpu.memory_space<hbm>>
        tpu.wait_dma2 semaphore(%arg12 : memref<!tpu.dma_semaphore, #tpu.memory_space<semaphore_mem>>) src(%dma_wait3A_46 : memref<128xi32, #tpu.memory_space<hbm>>) dst(%arg7 : memref<128xi32, #tpu.memory_space<vmem>>)
        %dma_start3A_47 = arith.constant 0 : i32
        %dma_start3A_48 = arith.constant 0 : i32
        %dma_start3A_49 = tpu.memref_slice %arg6[%dma_start3A_47, %dma_start3A_48] : memref<10240x128xf32, #tpu.memory_space<vmem_shared>> -> memref<10240x128xf32, #tpu.memory_space<vmem_shared>>
        tpu.enqueue_indirect_dma source(%arg9 : memref<128x128xf32, #tpu.memory_space<vmem>>) target(%dma_start3A_49 : memref<10240x128xf32, #tpu.memory_space<vmem_shared>>) offsets(%arg7 : memref<128xi32, #tpu.memory_space<vmem>>) semaphore(%arg10 : memref<!tpu.dma_semaphore, #tpu.memory_space<semaphore_mem>>) {add = true}
        %dma_wait3A_50 = arith.constant 0 : i32
        %dma_wait3A_51 = tpu.memref_slice %arg2[%add3A_22, %dma_wait3A_50] : memref<2500x128xi32, #tpu.memory_space<hbm>> -> memref<1x128xi32, #tpu.memory_space<hbm>>
        %dma_wait3A_52 = tpu.memref_squeeze %dma_wait3A_51 : memref<1x128xi32, #tpu.memory_space<hbm>> -> memref<128xi32, #tpu.memory_space<hbm>>
        %dma_wait3A_53 = arith.constant 0 : i32
        %dma_wait3A_54 = tpu.memref_slice %arg2[%add3A_22, %dma_wait3A_53] : memref<2500x128xi32, #tpu.memory_space<hbm>> -> memref<1x128xi32, #tpu.memory_space<hbm>>
        %dma_wait3A_55 = tpu.memref_squeeze %dma_wait3A_54 : memref<1x128xi32, #tpu.memory_space<hbm>> -> memref<128xi32, #tpu.memory_space<hbm>>
        tpu.wait_dma2 semaphore(%arg13 : memref<!tpu.dma_semaphore, #tpu.memory_space<semaphore_mem>>) src(%dma_wait3A_55 : memref<128xi32, #tpu.memory_space<hbm>>) dst(%arg8 : memref<128xi32, #tpu.memory_space<vmem>>)
        %dma_start3A_56 = arith.constant 0 : i32
        %dma_start3A_57 = arith.constant 0 : i32
        %dma_start3A_58 = tpu.memref_slice %arg6[%dma_start3A_56, %dma_start3A_57] : memref<10240x128xf32, #tpu.memory_space<vmem_shared>> -> memref<10240x128xf32, #tpu.memory_space<vmem_shared>>
        tpu.enqueue_indirect_dma source(%arg9 : memref<128x128xf32, #tpu.memory_space<vmem>>) target(%dma_start3A_58 : memref<10240x128xf32, #tpu.memory_space<vmem_shared>>) offsets(%arg8 : memref<128xi32, #tpu.memory_space<vmem>>) semaphore(%arg11 : memref<!tpu.dma_semaphore, #tpu.memory_space<semaphore_mem>>) {add = true}
        %dma_wait3A_59 = arith.constant 0 : i32
        %dma_wait3A_60 = arith.constant 0 : i32
        %dma_wait3A_61 = tpu.memref_slice %arg6[%dma_wait3A_59, %dma_wait3A_60] : memref<10240x128xf32, #tpu.memory_space<vmem_shared>> -> memref<10240x128xf32, #tpu.memory_space<vmem_shared>>
        tpu.wait_indirect_dma semaphore(%arg10 : memref<!tpu.dma_semaphore, #tpu.memory_space<semaphore_mem>>) src(%arg9 : memref<128x128xf32, #tpu.memory_space<vmem>>) dst(%dma_wait3A_61 : memref<10240x128xf32, #tpu.memory_space<vmem_shared>>)
        %dma_wait3A_62 = arith.constant 0 : i32
        %dma_wait3A_63 = arith.constant 0 : i32
        %dma_wait3A_64 = tpu.memref_slice %arg6[%dma_wait3A_62, %dma_wait3A_63] : memref<10240x128xf32, #tpu.memory_space<vmem_shared>> -> memref<10240x128xf32, #tpu.memory_space<vmem_shared>>
        tpu.wait_indirect_dma semaphore(%arg11 : memref<!tpu.dma_semaphore, #tpu.memory_space<semaphore_mem>>) src(%arg9 : memref<128x128xf32, #tpu.memory_space<vmem>>) dst(%dma_wait3A_64 : memref<10240x128xf32, #tpu.memory_space<vmem_shared>>)
      } else {
      }
      %lt3A_25 = arith.constant 2500 : i32
      %lt3A_26 = arith.cmpi slt, %add3A_20, %lt3A_25 : i32
      %ge3A = arith.constant 2500 : i32
      %ge3A_27 = arith.cmpi sge, %add3A_22, %ge3A : i32
      %and3A = arith.andi %lt3A_26, %ge3A_27 : i1
      %convert_element_type3A_28 = arith.extui %and3A : i1 to i32
      %cond3A_29 = arith.constant 0 : i32
      %cond3A_30 = arith.cmpi ne, %convert_element_type3A_28, %cond3A_29 : i32
      scf.if %cond3A_30 {
        "tpu.region"() ({
          %run_scoped3A = tpu.sem_alloc : memref<!tpu.dma_semaphore, #tpu.memory_space<semaphore_mem>>
          %dma_start3A = arith.constant 0 : i32
          %dma_start3A_31 = tpu.memref_slice %arg2[%add3A_20, %dma_start3A] : memref<2500x128xi32, #tpu.memory_space<hbm>> -> memref<1x128xi32, #tpu.memory_space<hbm>>
          %dma_start3A_32 = tpu.memref_squeeze %dma_start3A_31 : memref<1x128xi32, #tpu.memory_space<hbm>> -> memref<128xi32, #tpu.memory_space<hbm>>
          %dma_start3A_33 = arith.constant 0 : i32
          %dma_start3A_34 = tpu.memref_slice %arg2[%add3A_20, %dma_start3A_33] : memref<2500x128xi32, #tpu.memory_space<hbm>> -> memref<1x128xi32, #tpu.memory_space<hbm>>
          %dma_start3A_35 = tpu.memref_squeeze %dma_start3A_34 : memref<1x128xi32, #tpu.memory_space<hbm>> -> memref<128xi32, #tpu.memory_space<hbm>>
          tpu.enqueue_dma source(%dma_start3A_35 : memref<128xi32, #tpu.memory_space<hbm>>) target(%arg7 : memref<128xi32, #tpu.memory_space<vmem>>) target_semaphore(%run_scoped3A : memref<!tpu.dma_semaphore, #tpu.memory_space<semaphore_mem>>)
          %dma_wait3A = arith.constant 0 : i32
          %dma_wait3A_36 = tpu.memref_slice %arg2[%add3A_20, %dma_wait3A] : memref<2500x128xi32, #tpu.memory_space<hbm>> -> memref<1x128xi32, #tpu.memory_space<hbm>>
          %dma_wait3A_37 = tpu.memref_squeeze %dma_wait3A_36 : memref<1x128xi32, #tpu.memory_space<hbm>> -> memref<128xi32, #tpu.memory_space<hbm>>
          %dma_wait3A_38 = arith.constant 0 : i32
          %dma_wait3A_39 = tpu.memref_slice %arg2[%add3A_20, %dma_wait3A_38] : memref<2500x128xi32, #tpu.memory_space<hbm>> -> memref<1x128xi32, #tpu.memory_space<hbm>>
          %dma_wait3A_40 = tpu.memref_squeeze %dma_wait3A_39 : memref<1x128xi32, #tpu.memory_space<hbm>> -> memref<128xi32, #tpu.memory_space<hbm>>
          tpu.wait_dma2 semaphore(%run_scoped3A : memref<!tpu.dma_semaphore, #tpu.memory_space<semaphore_mem>>) src(%dma_wait3A_40 : memref<128xi32, #tpu.memory_space<hbm>>) dst(%arg7 : memref<128xi32, #tpu.memory_space<vmem>>)
          tpu.yield
        }) : () -> ()
        "tpu.region"() ({
          %run_scoped3A = tpu.sem_alloc : memref<!tpu.dma_semaphore, #tpu.memory_space<semaphore_mem>>
          %dma_start3A = arith.constant 0 : i32
          %dma_start3A_31 = arith.constant 0 : i32
          %dma_start3A_32 = tpu.memref_slice %arg6[%dma_start3A, %dma_start3A_31] : memref<10240x128xf32, #tpu.memory_space<vmem_shared>> -> memref<10240x128xf32, #tpu.memory_space<vmem_shared>>
          tpu.enqueue_indirect_dma source(%arg9 : memref<128x128xf32, #tpu.memory_space<vmem>>) target(%dma_start3A_32 : memref<10240x128xf32, #tpu.memory_space<vmem_shared>>) offsets(%arg7 : memref<128xi32, #tpu.memory_space<vmem>>) semaphore(%run_scoped3A : memref<!tpu.dma_semaphore, #tpu.memory_space<semaphore_mem>>) {add = true}
          %dma_wait3A = arith.constant 0 : i32
          %dma_wait3A_33 = arith.constant 0 : i32
          %dma_wait3A_34 = tpu.memref_slice %arg6[%dma_wait3A, %dma_wait3A_33] : memref<10240x128xf32, #tpu.memory_space<vmem_shared>> -> memref<10240x128xf32, #tpu.memory_space<vmem_shared>>
          tpu.wait_indirect_dma semaphore(%run_scoped3A : memref<!tpu.dma_semaphore, #tpu.memory_space<semaphore_mem>>) src(%arg9 : memref<128x128xf32, #tpu.memory_space<vmem>>) dst(%dma_wait3A_34 : memref<10240x128xf32, #tpu.memory_space<vmem_shared>>)
          tpu.yield
        }) : () -> ()
      } else {
      }
    }
    %scan3A_6 = arith.constant 40 : i32
    %barrier3A_7 = arith.constant 0 : index
    tpu.barrier barrier_id(%barrier3A_7)
    %mul3A_8 = arith.constant 10240 : i32
    %mul3A_9 = arith.muli %arg0, %mul3A_8 : i32
    %add3A_10 = arith.addi %mul3A_9, %mul3A_2 : i32
    "tpu.region"() ({
      %run_scoped3A = tpu.sem_alloc : memref<!tpu.dma_semaphore, #tpu.memory_space<semaphore_mem>>
      %dma_start3A = arith.constant 0 : i32
      %dma_start3A_11 = tpu.memref_slice %arg5[%add3A_10, %dma_start3A] : memref<20480x128xf32, #tpu.memory_space<hbm>> -> memref<640x128xf32, #tpu.memory_space<hbm>>
      %dma_start3A_12 = arith.constant 0 : i32
      %dma_start3A_13 = tpu.memref_slice %arg6[%mul3A_2, %dma_start3A_12] : memref<10240x128xf32, #tpu.memory_space<vmem_shared>> -> memref<640x128xf32, #tpu.memory_space<vmem_shared>>
      tpu.enqueue_dma source(%dma_start3A_13 : memref<640x128xf32, #tpu.memory_space<vmem_shared>>) target(%dma_start3A_11 : memref<640x128xf32, #tpu.memory_space<hbm>>) target_semaphore(%run_scoped3A : memref<!tpu.dma_semaphore, #tpu.memory_space<semaphore_mem>>)
      %dma_wait3A = arith.constant 0 : i32
      %dma_wait3A_14 = tpu.memref_slice %arg5[%add3A_10, %dma_wait3A] : memref<20480x128xf32, #tpu.memory_space<hbm>> -> memref<640x128xf32, #tpu.memory_space<hbm>>
      %dma_wait3A_15 = arith.constant 0 : i32
      %dma_wait3A_16 = tpu.memref_slice %arg6[%mul3A_2, %dma_wait3A_15] : memref<10240x128xf32, #tpu.memory_space<vmem_shared>> -> memref<640x128xf32, #tpu.memory_space<vmem_shared>>
      tpu.wait_dma2 semaphore(%run_scoped3A : memref<!tpu.dma_semaphore, #tpu.memory_space<semaphore_mem>>) src(%dma_wait3A_16 : memref<640x128xf32, #tpu.memory_space<vmem_shared>>) dst(%dma_wait3A_14 : memref<640x128xf32, #tpu.memory_space<hbm>>)
      tpu.yield
    }) : () -> ()
    return
  }
}

#map = affine_map<(d0, d1) -> (0, 0)>
module attributes {stable_mosaic.version = 14 : i64} {
  func.func @k(%arg0: i32, %arg1: i32, %arg2: memref<10000x128xf32, #tpu.memory_space<hbm>>, %arg3: memref<2500x128xi32, #tpu.memory_space<hbm>>, %arg4: memref<2500x128xi32, #tpu.memory_space<hbm>>, %arg5: memref<10240x128xf32, #tpu.memory_space<hbm>>, %arg6: memref<20480x128xf32, #tpu.memory_space<hbm>>, %arg7: memref<10240x128xf32, #tpu.memory_space<vmem_shared>>, %arg8: memref<128xi32, #tpu.memory_space<vmem>>, %arg9: memref<128xi32, #tpu.memory_space<vmem>>, %arg10: memref<128xi32, #tpu.memory_space<vmem>>, %arg11: memref<128xi32, #tpu.memory_space<vmem>>, %arg12: memref<128x128xf32, #tpu.memory_space<vmem>>, %arg13: memref<128x128xf32, #tpu.memory_space<vmem>>, %arg14: memref<!tpu.dma_semaphore, #tpu.memory_space<semaphore_mem>>, %arg15: memref<!tpu.dma_semaphore, #tpu.memory_space<semaphore_mem>>, %arg16: memref<!tpu.dma_semaphore, #tpu.memory_space<semaphore_mem>>, %arg17: memref<!tpu.dma_semaphore, #tpu.memory_space<semaphore_mem>>, %arg18: memref<!tpu.dma_semaphore, #tpu.memory_space<semaphore_mem>>, %arg19: memref<!tpu.dma_semaphore, #tpu.memory_space<semaphore_mem>>, %arg20: memref<!tpu.dma_semaphore, #tpu.memory_space<semaphore_mem>>, %arg21: memref<!tpu.dma_semaphore, #tpu.memory_space<semaphore_mem>>) attributes {dimension_semantics = [#tpu.dimension_semantics<core_parallel>, #tpu.dimension_semantics<subcore_parallel>], iteration_bounds = array<i64: 2, 16>, scalar_prefetch = 0 : i64, scratch_operands = 15 : i64, tpu.core_type = #tpu.core_type<sc_vector_subcore>, window_params = [{transform_indices = #map}, {transform_indices = #map}, {transform_indices = #map}, {transform_indices = #map}, {transform_indices = #map}]} {
    %mul3A = arith.constant 2 : i32
    %mul3A_0 = arith.muli %arg1, %mul3A : i32
    %add3A = arith.addi %mul3A_0, %arg0 : i32
    %mul3A_1 = arith.constant 640 : i32
    %mul3A_2 = arith.muli %arg1, %mul3A_1 : i32
    "tpu.region"() ({
      %run_scoped3A = tpu.sem_alloc : memref<!tpu.dma_semaphore, #tpu.memory_space<semaphore_mem>>
      %dma_start3A = arith.constant 0 : i32
      %dma_start3A_11 = tpu.memref_slice %arg7[%mul3A_2, %dma_start3A] : memref<10240x128xf32, #tpu.memory_space<vmem_shared>> -> memref<640x128xf32, #tpu.memory_space<vmem_shared>>
      %dma_start3A_12 = arith.constant 0 : i32
      %dma_start3A_13 = tpu.memref_slice %arg5[%mul3A_2, %dma_start3A_12] : memref<10240x128xf32, #tpu.memory_space<hbm>> -> memref<640x128xf32, #tpu.memory_space<hbm>>
      tpu.enqueue_dma source(%dma_start3A_13 : memref<640x128xf32, #tpu.memory_space<hbm>>) target(%dma_start3A_11 : memref<640x128xf32, #tpu.memory_space<vmem_shared>>) target_semaphore(%run_scoped3A : memref<!tpu.dma_semaphore, #tpu.memory_space<semaphore_mem>>)
      %dma_wait3A = arith.constant 0 : i32
      %dma_wait3A_14 = tpu.memref_slice %arg7[%mul3A_2, %dma_wait3A] : memref<10240x128xf32, #tpu.memory_space<vmem_shared>> -> memref<640x128xf32, #tpu.memory_space<vmem_shared>>
      %dma_wait3A_15 = arith.constant 0 : i32
      %dma_wait3A_16 = tpu.memref_slice %arg5[%mul3A_2, %dma_wait3A_15] : memref<10240x128xf32, #tpu.memory_space<hbm>> -> memref<640x128xf32, #tpu.memory_space<hbm>>
      tpu.wait_dma2 semaphore(%run_scoped3A : memref<!tpu.dma_semaphore, #tpu.memory_space<semaphore_mem>>) src(%dma_wait3A_16 : memref<640x128xf32, #tpu.memory_space<hbm>>) dst(%dma_wait3A_14 : memref<640x128xf32, #tpu.memory_space<vmem_shared>>)
      tpu.yield
    }) : () -> ()
    %barrier3A = arith.constant 0 : index
    tpu.barrier barrier_id(%barrier3A)
    %scan3A = arith.constant 0 : i32
    %scan3A_3 = arith.constant 40 : i32
    %scan3A_4 = arith.addi %scan3A, %scan3A_3 : i32
    %scan3A_5 = arith.constant 1 : i32
    scf.for %scan3A_11 = %scan3A to %scan3A_4 step %scan3A_5  : i32 {
      %mul3A_12 = arith.constant 1 : i32
      %mul3A_13 = arith.muli %scan3A_11, %mul3A_12 : i32
      %add3A_14 = arith.constant 0 : i32
      %add3A_15 = arith.addi %add3A_14, %mul3A_13 : i32
      %mul3A_16 = arith.constant 2 : i32
      %mul3A_17 = arith.muli %mul3A_16, %add3A_15 : i32
      %mul3A_18 = arith.constant 32 : i32
      %mul3A_19 = arith.muli %mul3A_17, %mul3A_18 : i32
      %add3A_20 = arith.addi %add3A, %mul3A_19 : i32
      %add3A_21 = arith.constant 32 : i32
      %add3A_22 = arith.addi %add3A_20, %add3A_21 : i32
      %lt3A = arith.constant 2500 : i32
      %lt3A_23 = arith.cmpi slt, %add3A_22, %lt3A : i32
      %convert_element_type3A = arith.extui %lt3A_23 : i1 to i32
      %cond3A = arith.constant 0 : i32
      %cond3A_24 = arith.cmpi ne, %convert_element_type3A, %cond3A : i32
      scf.if %cond3A_24 {
        %dma_start3A = arith.constant 0 : i32
        %dma_start3A_31 = tpu.memref_slice %arg3[%add3A_20, %dma_start3A] : memref<2500x128xi32, #tpu.memory_space<hbm>> -> memref<1x128xi32, #tpu.memory_space<hbm>>
        %dma_start3A_32 = tpu.memref_squeeze %dma_start3A_31 : memref<1x128xi32, #tpu.memory_space<hbm>> -> memref<128xi32, #tpu.memory_space<hbm>>
        %dma_start3A_33 = arith.constant 0 : i32
        %dma_start3A_34 = tpu.memref_slice %arg3[%add3A_20, %dma_start3A_33] : memref<2500x128xi32, #tpu.memory_space<hbm>> -> memref<1x128xi32, #tpu.memory_space<hbm>>
        %dma_start3A_35 = tpu.memref_squeeze %dma_start3A_34 : memref<1x128xi32, #tpu.memory_space<hbm>> -> memref<128xi32, #tpu.memory_space<hbm>>
        tpu.enqueue_dma source(%dma_start3A_35 : memref<128xi32, #tpu.memory_space<hbm>>) target(%arg8 : memref<128xi32, #tpu.memory_space<vmem>>) target_semaphore(%arg18 : memref<!tpu.dma_semaphore, #tpu.memory_space<semaphore_mem>>)
        %dma_start3A_36 = arith.constant 0 : i32
        %dma_start3A_37 = tpu.memref_slice %arg4[%add3A_20, %dma_start3A_36] : memref<2500x128xi32, #tpu.memory_space<hbm>> -> memref<1x128xi32, #tpu.memory_space<hbm>>
        %dma_start3A_38 = tpu.memref_squeeze %dma_start3A_37 : memref<1x128xi32, #tpu.memory_space<hbm>> -> memref<128xi32, #tpu.memory_space<hbm>>
        %dma_start3A_39 = arith.constant 0 : i32
        %dma_start3A_40 = tpu.memref_slice %arg4[%add3A_20, %dma_start3A_39] : memref<2500x128xi32, #tpu.memory_space<hbm>> -> memref<1x128xi32, #tpu.memory_space<hbm>>
        %dma_start3A_41 = tpu.memref_squeeze %dma_start3A_40 : memref<1x128xi32, #tpu.memory_space<hbm>> -> memref<128xi32, #tpu.memory_space<hbm>>
        tpu.enqueue_dma source(%dma_start3A_41 : memref<128xi32, #tpu.memory_space<hbm>>) target(%arg9 : memref<128xi32, #tpu.memory_space<vmem>>) target_semaphore(%arg19 : memref<!tpu.dma_semaphore, #tpu.memory_space<semaphore_mem>>)
        %dma_start3A_42 = arith.constant 0 : i32
        %dma_start3A_43 = tpu.memref_slice %arg3[%add3A_22, %dma_start3A_42] : memref<2500x128xi32, #tpu.memory_space<hbm>> -> memref<1x128xi32, #tpu.memory_space<hbm>>
        %dma_start3A_44 = tpu.memref_squeeze %dma_start3A_43 : memref<1x128xi32, #tpu.memory_space<hbm>> -> memref<128xi32, #tpu.memory_space<hbm>>
        %dma_start3A_45 = arith.constant 0 : i32
        %dma_start3A_46 = tpu.memref_slice %arg3[%add3A_22, %dma_start3A_45] : memref<2500x128xi32, #tpu.memory_space<hbm>> -> memref<1x128xi32, #tpu.memory_space<hbm>>
        %dma_start3A_47 = tpu.memref_squeeze %dma_start3A_46 : memref<1x128xi32, #tpu.memory_space<hbm>> -> memref<128xi32, #tpu.memory_space<hbm>>
        tpu.enqueue_dma source(%dma_start3A_47 : memref<128xi32, #tpu.memory_space<hbm>>) target(%arg10 : memref<128xi32, #tpu.memory_space<vmem>>) target_semaphore(%arg20 : memref<!tpu.dma_semaphore, #tpu.memory_space<semaphore_mem>>)
        %dma_start3A_48 = arith.constant 0 : i32
        %dma_start3A_49 = tpu.memref_slice %arg4[%add3A_22, %dma_start3A_48] : memref<2500x128xi32, #tpu.memory_space<hbm>> -> memref<1x128xi32, #tpu.memory_space<hbm>>
        %dma_start3A_50 = tpu.memref_squeeze %dma_start3A_49 : memref<1x128xi32, #tpu.memory_space<hbm>> -> memref<128xi32, #tpu.memory_space<hbm>>
        %dma_start3A_51 = arith.constant 0 : i32
        %dma_start3A_52 = tpu.memref_slice %arg4[%add3A_22, %dma_start3A_51] : memref<2500x128xi32, #tpu.memory_space<hbm>> -> memref<1x128xi32, #tpu.memory_space<hbm>>
        %dma_start3A_53 = tpu.memref_squeeze %dma_start3A_52 : memref<1x128xi32, #tpu.memory_space<hbm>> -> memref<128xi32, #tpu.memory_space<hbm>>
        tpu.enqueue_dma source(%dma_start3A_53 : memref<128xi32, #tpu.memory_space<hbm>>) target(%arg11 : memref<128xi32, #tpu.memory_space<vmem>>) target_semaphore(%arg21 : memref<!tpu.dma_semaphore, #tpu.memory_space<semaphore_mem>>)
        %dma_wait3A = arith.constant 0 : i32
        %dma_wait3A_54 = tpu.memref_slice %arg3[%add3A_20, %dma_wait3A] : memref<2500x128xi32, #tpu.memory_space<hbm>> -> memref<1x128xi32, #tpu.memory_space<hbm>>
        %dma_wait3A_55 = tpu.memref_squeeze %dma_wait3A_54 : memref<1x128xi32, #tpu.memory_space<hbm>> -> memref<128xi32, #tpu.memory_space<hbm>>
        %dma_wait3A_56 = arith.constant 0 : i32
        %dma_wait3A_57 = tpu.memref_slice %arg3[%add3A_20, %dma_wait3A_56] : memref<2500x128xi32, #tpu.memory_space<hbm>> -> memref<1x128xi32, #tpu.memory_space<hbm>>
        %dma_wait3A_58 = tpu.memref_squeeze %dma_wait3A_57 : memref<1x128xi32, #tpu.memory_space<hbm>> -> memref<128xi32, #tpu.memory_space<hbm>>
        tpu.wait_dma2 semaphore(%arg18 : memref<!tpu.dma_semaphore, #tpu.memory_space<semaphore_mem>>) src(%dma_wait3A_58 : memref<128xi32, #tpu.memory_space<hbm>>) dst(%arg8 : memref<128xi32, #tpu.memory_space<vmem>>)
        %dma_start3A_59 = arith.constant 0 : i32
        %dma_start3A_60 = arith.constant 0 : i32
        %dma_start3A_61 = tpu.memref_slice %arg2[%dma_start3A_59, %dma_start3A_60] : memref<10000x128xf32, #tpu.memory_space<hbm>> -> memref<10000x128xf32, #tpu.memory_space<hbm>>
        tpu.enqueue_indirect_dma source(%dma_start3A_61 : memref<10000x128xf32, #tpu.memory_space<hbm>>) target(%arg12 : memref<128x128xf32, #tpu.memory_space<vmem>>) offsets(%arg8 : memref<128xi32, #tpu.memory_space<vmem>>) semaphore(%arg14 : memref<!tpu.dma_semaphore, #tpu.memory_space<semaphore_mem>>)
        %dma_wait3A_62 = arith.constant 0 : i32
        %dma_wait3A_63 = tpu.memref_slice %arg3[%add3A_22, %dma_wait3A_62] : memref<2500x128xi32, #tpu.memory_space<hbm>> -> memref<1x128xi32, #tpu.memory_space<hbm>>
        %dma_wait3A_64 = tpu.memref_squeeze %dma_wait3A_63 : memref<1x128xi32, #tpu.memory_space<hbm>> -> memref<128xi32, #tpu.memory_space<hbm>>
        %dma_wait3A_65 = arith.constant 0 : i32
        %dma_wait3A_66 = tpu.memref_slice %arg3[%add3A_22, %dma_wait3A_65] : memref<2500x128xi32, #tpu.memory_space<hbm>> -> memref<1x128xi32, #tpu.memory_space<hbm>>
        %dma_wait3A_67 = tpu.memref_squeeze %dma_wait3A_66 : memref<1x128xi32, #tpu.memory_space<hbm>> -> memref<128xi32, #tpu.memory_space<hbm>>
        tpu.wait_dma2 semaphore(%arg20 : memref<!tpu.dma_semaphore, #tpu.memory_space<semaphore_mem>>) src(%dma_wait3A_67 : memref<128xi32, #tpu.memory_space<hbm>>) dst(%arg10 : memref<128xi32, #tpu.memory_space<vmem>>)
        %dma_start3A_68 = arith.constant 0 : i32
        %dma_start3A_69 = arith.constant 0 : i32
        %dma_start3A_70 = tpu.memref_slice %arg2[%dma_start3A_68, %dma_start3A_69] : memref<10000x128xf32, #tpu.memory_space<hbm>> -> memref<10000x128xf32, #tpu.memory_space<hbm>>
        tpu.enqueue_indirect_dma source(%dma_start3A_70 : memref<10000x128xf32, #tpu.memory_space<hbm>>) target(%arg13 : memref<128x128xf32, #tpu.memory_space<vmem>>) offsets(%arg10 : memref<128xi32, #tpu.memory_space<vmem>>) semaphore(%arg15 : memref<!tpu.dma_semaphore, #tpu.memory_space<semaphore_mem>>)
        %dma_wait3A_71 = arith.constant 0 : i32
        %dma_wait3A_72 = arith.constant 0 : i32
        %dma_wait3A_73 = tpu.memref_slice %arg2[%dma_wait3A_71, %dma_wait3A_72] : memref<10000x128xf32, #tpu.memory_space<hbm>> -> memref<10000x128xf32, #tpu.memory_space<hbm>>
        tpu.wait_indirect_dma semaphore(%arg14 : memref<!tpu.dma_semaphore, #tpu.memory_space<semaphore_mem>>) src(%dma_wait3A_73 : memref<10000x128xf32, #tpu.memory_space<hbm>>) dst(%arg12 : memref<128x128xf32, #tpu.memory_space<vmem>>)
        %dma_wait3A_74 = arith.constant 0 : i32
        %dma_wait3A_75 = tpu.memref_slice %arg4[%add3A_20, %dma_wait3A_74] : memref<2500x128xi32, #tpu.memory_space<hbm>> -> memref<1x128xi32, #tpu.memory_space<hbm>>
        %dma_wait3A_76 = tpu.memref_squeeze %dma_wait3A_75 : memref<1x128xi32, #tpu.memory_space<hbm>> -> memref<128xi32, #tpu.memory_space<hbm>>
        %dma_wait3A_77 = arith.constant 0 : i32
        %dma_wait3A_78 = tpu.memref_slice %arg4[%add3A_20, %dma_wait3A_77] : memref<2500x128xi32, #tpu.memory_space<hbm>> -> memref<1x128xi32, #tpu.memory_space<hbm>>
        %dma_wait3A_79 = tpu.memref_squeeze %dma_wait3A_78 : memref<1x128xi32, #tpu.memory_space<hbm>> -> memref<128xi32, #tpu.memory_space<hbm>>
        tpu.wait_dma2 semaphore(%arg19 : memref<!tpu.dma_semaphore, #tpu.memory_space<semaphore_mem>>) src(%dma_wait3A_79 : memref<128xi32, #tpu.memory_space<hbm>>) dst(%arg9 : memref<128xi32, #tpu.memory_space<vmem>>)
        %dma_start3A_80 = arith.constant 0 : i32
        %dma_start3A_81 = arith.constant 0 : i32
        %dma_start3A_82 = tpu.memref_slice %arg7[%dma_start3A_80, %dma_start3A_81] : memref<10240x128xf32, #tpu.memory_space<vmem_shared>> -> memref<10240x128xf32, #tpu.memory_space<vmem_shared>>
        tpu.enqueue_indirect_dma source(%arg12 : memref<128x128xf32, #tpu.memory_space<vmem>>) target(%dma_start3A_82 : memref<10240x128xf32, #tpu.memory_space<vmem_shared>>) offsets(%arg9 : memref<128xi32, #tpu.memory_space<vmem>>) semaphore(%arg16 : memref<!tpu.dma_semaphore, #tpu.memory_space<semaphore_mem>>) {add = true}
        %dma_wait3A_83 = arith.constant 0 : i32
        %dma_wait3A_84 = arith.constant 0 : i32
        %dma_wait3A_85 = tpu.memref_slice %arg2[%dma_wait3A_83, %dma_wait3A_84] : memref<10000x128xf32, #tpu.memory_space<hbm>> -> memref<10000x128xf32, #tpu.memory_space<hbm>>
        tpu.wait_indirect_dma semaphore(%arg15 : memref<!tpu.dma_semaphore, #tpu.memory_space<semaphore_mem>>) src(%dma_wait3A_85 : memref<10000x128xf32, #tpu.memory_space<hbm>>) dst(%arg13 : memref<128x128xf32, #tpu.memory_space<vmem>>)
        %dma_wait3A_86 = arith.constant 0 : i32
        %dma_wait3A_87 = tpu.memref_slice %arg4[%add3A_22, %dma_wait3A_86] : memref<2500x128xi32, #tpu.memory_space<hbm>> -> memref<1x128xi32, #tpu.memory_space<hbm>>
        %dma_wait3A_88 = tpu.memref_squeeze %dma_wait3A_87 : memref<1x128xi32, #tpu.memory_space<hbm>> -> memref<128xi32, #tpu.memory_space<hbm>>
        %dma_wait3A_89 = arith.constant 0 : i32
        %dma_wait3A_90 = tpu.memref_slice %arg4[%add3A_22, %dma_wait3A_89] : memref<2500x128xi32, #tpu.memory_space<hbm>> -> memref<1x128xi32, #tpu.memory_space<hbm>>
        %dma_wait3A_91 = tpu.memref_squeeze %dma_wait3A_90 : memref<1x128xi32, #tpu.memory_space<hbm>> -> memref<128xi32, #tpu.memory_space<hbm>>
        tpu.wait_dma2 semaphore(%arg21 : memref<!tpu.dma_semaphore, #tpu.memory_space<semaphore_mem>>) src(%dma_wait3A_91 : memref<128xi32, #tpu.memory_space<hbm>>) dst(%arg11 : memref<128xi32, #tpu.memory_space<vmem>>)
        %dma_start3A_92 = arith.constant 0 : i32
        %dma_start3A_93 = arith.constant 0 : i32
        %dma_start3A_94 = tpu.memref_slice %arg7[%dma_start3A_92, %dma_start3A_93] : memref<10240x128xf32, #tpu.memory_space<vmem_shared>> -> memref<10240x128xf32, #tpu.memory_space<vmem_shared>>
        tpu.enqueue_indirect_dma source(%arg13 : memref<128x128xf32, #tpu.memory_space<vmem>>) target(%dma_start3A_94 : memref<10240x128xf32, #tpu.memory_space<vmem_shared>>) offsets(%arg11 : memref<128xi32, #tpu.memory_space<vmem>>) semaphore(%arg17 : memref<!tpu.dma_semaphore, #tpu.memory_space<semaphore_mem>>) {add = true}
        %dma_wait3A_95 = arith.constant 0 : i32
        %dma_wait3A_96 = arith.constant 0 : i32
        %dma_wait3A_97 = tpu.memref_slice %arg7[%dma_wait3A_95, %dma_wait3A_96] : memref<10240x128xf32, #tpu.memory_space<vmem_shared>> -> memref<10240x128xf32, #tpu.memory_space<vmem_shared>>
        tpu.wait_indirect_dma semaphore(%arg16 : memref<!tpu.dma_semaphore, #tpu.memory_space<semaphore_mem>>) src(%arg12 : memref<128x128xf32, #tpu.memory_space<vmem>>) dst(%dma_wait3A_97 : memref<10240x128xf32, #tpu.memory_space<vmem_shared>>)
        %dma_wait3A_98 = arith.constant 0 : i32
        %dma_wait3A_99 = arith.constant 0 : i32
        %dma_wait3A_100 = tpu.memref_slice %arg7[%dma_wait3A_98, %dma_wait3A_99] : memref<10240x128xf32, #tpu.memory_space<vmem_shared>> -> memref<10240x128xf32, #tpu.memory_space<vmem_shared>>
        tpu.wait_indirect_dma semaphore(%arg17 : memref<!tpu.dma_semaphore, #tpu.memory_space<semaphore_mem>>) src(%arg13 : memref<128x128xf32, #tpu.memory_space<vmem>>) dst(%dma_wait3A_100 : memref<10240x128xf32, #tpu.memory_space<vmem_shared>>)
      } else {
      }
      %lt3A_25 = arith.constant 2500 : i32
      %lt3A_26 = arith.cmpi slt, %add3A_20, %lt3A_25 : i32
      %ge3A = arith.constant 2500 : i32
      %ge3A_27 = arith.cmpi sge, %add3A_22, %ge3A : i32
      %and3A = arith.andi %lt3A_26, %ge3A_27 : i1
      %convert_element_type3A_28 = arith.extui %and3A : i1 to i32
      %cond3A_29 = arith.constant 0 : i32
      %cond3A_30 = arith.cmpi ne, %convert_element_type3A_28, %cond3A_29 : i32
      scf.if %cond3A_30 {
        "tpu.region"() ({
          %run_scoped3A = tpu.sem_alloc : memref<!tpu.dma_semaphore, #tpu.memory_space<semaphore_mem>>
          %dma_start3A = arith.constant 0 : i32
          %dma_start3A_31 = tpu.memref_slice %arg3[%add3A_20, %dma_start3A] : memref<2500x128xi32, #tpu.memory_space<hbm>> -> memref<1x128xi32, #tpu.memory_space<hbm>>
          %dma_start3A_32 = tpu.memref_squeeze %dma_start3A_31 : memref<1x128xi32, #tpu.memory_space<hbm>> -> memref<128xi32, #tpu.memory_space<hbm>>
          %dma_start3A_33 = arith.constant 0 : i32
          %dma_start3A_34 = tpu.memref_slice %arg3[%add3A_20, %dma_start3A_33] : memref<2500x128xi32, #tpu.memory_space<hbm>> -> memref<1x128xi32, #tpu.memory_space<hbm>>
          %dma_start3A_35 = tpu.memref_squeeze %dma_start3A_34 : memref<1x128xi32, #tpu.memory_space<hbm>> -> memref<128xi32, #tpu.memory_space<hbm>>
          tpu.enqueue_dma source(%dma_start3A_35 : memref<128xi32, #tpu.memory_space<hbm>>) target(%arg8 : memref<128xi32, #tpu.memory_space<vmem>>) target_semaphore(%run_scoped3A : memref<!tpu.dma_semaphore, #tpu.memory_space<semaphore_mem>>)
          %dma_wait3A = arith.constant 0 : i32
          %dma_wait3A_36 = tpu.memref_slice %arg3[%add3A_20, %dma_wait3A] : memref<2500x128xi32, #tpu.memory_space<hbm>> -> memref<1x128xi32, #tpu.memory_space<hbm>>
          %dma_wait3A_37 = tpu.memref_squeeze %dma_wait3A_36 : memref<1x128xi32, #tpu.memory_space<hbm>> -> memref<128xi32, #tpu.memory_space<hbm>>
          %dma_wait3A_38 = arith.constant 0 : i32
          %dma_wait3A_39 = tpu.memref_slice %arg3[%add3A_20, %dma_wait3A_38] : memref<2500x128xi32, #tpu.memory_space<hbm>> -> memref<1x128xi32, #tpu.memory_space<hbm>>
          %dma_wait3A_40 = tpu.memref_squeeze %dma_wait3A_39 : memref<1x128xi32, #tpu.memory_space<hbm>> -> memref<128xi32, #tpu.memory_space<hbm>>
          tpu.wait_dma2 semaphore(%run_scoped3A : memref<!tpu.dma_semaphore, #tpu.memory_space<semaphore_mem>>) src(%dma_wait3A_40 : memref<128xi32, #tpu.memory_space<hbm>>) dst(%arg8 : memref<128xi32, #tpu.memory_space<vmem>>)
          tpu.yield
        }) : () -> ()
        "tpu.region"() ({
          %run_scoped3A = tpu.sem_alloc : memref<!tpu.dma_semaphore, #tpu.memory_space<semaphore_mem>>
          %dma_start3A = arith.constant 0 : i32
          %dma_start3A_31 = tpu.memref_slice %arg4[%add3A_20, %dma_start3A] : memref<2500x128xi32, #tpu.memory_space<hbm>> -> memref<1x128xi32, #tpu.memory_space<hbm>>
          %dma_start3A_32 = tpu.memref_squeeze %dma_start3A_31 : memref<1x128xi32, #tpu.memory_space<hbm>> -> memref<128xi32, #tpu.memory_space<hbm>>
          %dma_start3A_33 = arith.constant 0 : i32
          %dma_start3A_34 = tpu.memref_slice %arg4[%add3A_20, %dma_start3A_33] : memref<2500x128xi32, #tpu.memory_space<hbm>> -> memref<1x128xi32, #tpu.memory_space<hbm>>
          %dma_start3A_35 = tpu.memref_squeeze %dma_start3A_34 : memref<1x128xi32, #tpu.memory_space<hbm>> -> memref<128xi32, #tpu.memory_space<hbm>>
          tpu.enqueue_dma source(%dma_start3A_35 : memref<128xi32, #tpu.memory_space<hbm>>) target(%arg9 : memref<128xi32, #tpu.memory_space<vmem>>) target_semaphore(%run_scoped3A : memref<!tpu.dma_semaphore, #tpu.memory_space<semaphore_mem>>)
          %dma_wait3A = arith.constant 0 : i32
          %dma_wait3A_36 = tpu.memref_slice %arg4[%add3A_20, %dma_wait3A] : memref<2500x128xi32, #tpu.memory_space<hbm>> -> memref<1x128xi32, #tpu.memory_space<hbm>>
          %dma_wait3A_37 = tpu.memref_squeeze %dma_wait3A_36 : memref<1x128xi32, #tpu.memory_space<hbm>> -> memref<128xi32, #tpu.memory_space<hbm>>
          %dma_wait3A_38 = arith.constant 0 : i32
          %dma_wait3A_39 = tpu.memref_slice %arg4[%add3A_20, %dma_wait3A_38] : memref<2500x128xi32, #tpu.memory_space<hbm>> -> memref<1x128xi32, #tpu.memory_space<hbm>>
          %dma_wait3A_40 = tpu.memref_squeeze %dma_wait3A_39 : memref<1x128xi32, #tpu.memory_space<hbm>> -> memref<128xi32, #tpu.memory_space<hbm>>
          tpu.wait_dma2 semaphore(%run_scoped3A : memref<!tpu.dma_semaphore, #tpu.memory_space<semaphore_mem>>) src(%dma_wait3A_40 : memref<128xi32, #tpu.memory_space<hbm>>) dst(%arg9 : memref<128xi32, #tpu.memory_space<vmem>>)
          tpu.yield
        }) : () -> ()
        "tpu.region"() ({
          %run_scoped3A = tpu.sem_alloc : memref<!tpu.dma_semaphore, #tpu.memory_space<semaphore_mem>>
          %dma_start3A = arith.constant 0 : i32
          %dma_start3A_31 = arith.constant 0 : i32
          %dma_start3A_32 = tpu.memref_slice %arg2[%dma_start3A, %dma_start3A_31] : memref<10000x128xf32, #tpu.memory_space<hbm>> -> memref<10000x128xf32, #tpu.memory_space<hbm>>
          tpu.enqueue_indirect_dma source(%dma_start3A_32 : memref<10000x128xf32, #tpu.memory_space<hbm>>) target(%arg12 : memref<128x128xf32, #tpu.memory_space<vmem>>) offsets(%arg8 : memref<128xi32, #tpu.memory_space<vmem>>) semaphore(%run_scoped3A : memref<!tpu.dma_semaphore, #tpu.memory_space<semaphore_mem>>)
          %dma_wait3A = arith.constant 0 : i32
          %dma_wait3A_33 = arith.constant 0 : i32
          %dma_wait3A_34 = tpu.memref_slice %arg2[%dma_wait3A, %dma_wait3A_33] : memref<10000x128xf32, #tpu.memory_space<hbm>> -> memref<10000x128xf32, #tpu.memory_space<hbm>>
          tpu.wait_indirect_dma semaphore(%run_scoped3A : memref<!tpu.dma_semaphore, #tpu.memory_space<semaphore_mem>>) src(%dma_wait3A_34 : memref<10000x128xf32, #tpu.memory_space<hbm>>) dst(%arg12 : memref<128x128xf32, #tpu.memory_space<vmem>>)
          tpu.yield
        }) : () -> ()
        "tpu.region"() ({
          %run_scoped3A = tpu.sem_alloc : memref<!tpu.dma_semaphore, #tpu.memory_space<semaphore_mem>>
          %dma_start3A = arith.constant 0 : i32
          %dma_start3A_31 = arith.constant 0 : i32
          %dma_start3A_32 = tpu.memref_slice %arg7[%dma_start3A, %dma_start3A_31] : memref<10240x128xf32, #tpu.memory_space<vmem_shared>> -> memref<10240x128xf32, #tpu.memory_space<vmem_shared>>
          tpu.enqueue_indirect_dma source(%arg12 : memref<128x128xf32, #tpu.memory_space<vmem>>) target(%dma_start3A_32 : memref<10240x128xf32, #tpu.memory_space<vmem_shared>>) offsets(%arg9 : memref<128xi32, #tpu.memory_space<vmem>>) semaphore(%run_scoped3A : memref<!tpu.dma_semaphore, #tpu.memory_space<semaphore_mem>>) {add = true}
          %dma_wait3A = arith.constant 0 : i32
          %dma_wait3A_33 = arith.constant 0 : i32
          %dma_wait3A_34 = tpu.memref_slice %arg7[%dma_wait3A, %dma_wait3A_33] : memref<10240x128xf32, #tpu.memory_space<vmem_shared>> -> memref<10240x128xf32, #tpu.memory_space<vmem_shared>>
          tpu.wait_indirect_dma semaphore(%run_scoped3A : memref<!tpu.dma_semaphore, #tpu.memory_space<semaphore_mem>>) src(%arg12 : memref<128x128xf32, #tpu.memory_space<vmem>>) dst(%dma_wait3A_34 : memref<10240x128xf32, #tpu.memory_space<vmem_shared>>)
          tpu.yield
        }) : () -> ()
      } else {
      }
    }
    %scan3A_6 = arith.constant 40 : i32
    %barrier3A_7 = arith.constant 0 : index
    tpu.barrier barrier_id(%barrier3A_7)
    %mul3A_8 = arith.constant 10240 : i32
    %mul3A_9 = arith.muli %arg0, %mul3A_8 : i32
    %add3A_10 = arith.addi %mul3A_9, %mul3A_2 : i32
    "tpu.region"() ({
      %run_scoped3A = tpu.sem_alloc : memref<!tpu.dma_semaphore, #tpu.memory_space<semaphore_mem>>
      %dma_start3A = arith.constant 0 : i32
      %dma_start3A_11 = tpu.memref_slice %arg6[%add3A_10, %dma_start3A] : memref<20480x128xf32, #tpu.memory_space<hbm>> -> memref<640x128xf32, #tpu.memory_space<hbm>>
      %dma_start3A_12 = arith.constant 0 : i32
      %dma_start3A_13 = tpu.memref_slice %arg7[%mul3A_2, %dma_start3A_12] : memref<10240x128xf32, #tpu.memory_space<vmem_shared>> -> memref<640x128xf32, #tpu.memory_space<vmem_shared>>
      tpu.enqueue_dma source(%dma_start3A_13 : memref<640x128xf32, #tpu.memory_space<vmem_shared>>) target(%dma_start3A_11 : memref<640x128xf32, #tpu.memory_space<hbm>>) target_semaphore(%run_scoped3A : memref<!tpu.dma_semaphore, #tpu.memory_space<semaphore_mem>>)
      %dma_wait3A = arith.constant 0 : i32
      %dma_wait3A_14 = tpu.memref_slice %arg6[%add3A_10, %dma_wait3A] : memref<20480x128xf32, #tpu.memory_space<hbm>> -> memref<640x128xf32, #tpu.memory_space<hbm>>
      %dma_wait3A_15 = arith.constant 0 : i32
      %dma_wait3A_16 = tpu.memref_slice %arg7[%mul3A_2, %dma_wait3A_15] : memref<10240x128xf32, #tpu.memory_space<vmem_shared>> -> memref<640x128xf32, #tpu.memory_space<vmem_shared>>
      tpu.wait_dma2 semaphore(%run_scoped3A : memref<!tpu.dma_semaphore, #tpu.memory_space<semaphore_mem>>) src(%dma_wait3A_16 : memref<640x128xf32, #tpu.memory_space<vmem_shared>>) dst(%dma_wait3A_14 : memref<640x128xf32, #tpu.memory_space<hbm>>)
      tpu.yield
    }) : () -> ()
    return
  }
}

module attributes {stable_mosaic.version = 14 : i64} {
  func.func @body(%arg0: i32, %arg1: memref<2x2000x128xf32, #tpu.memory_space<vmem>>, %arg2: memref<2000x128xf32, #tpu.memory_space<vmem>>, %arg3: memref<2000x128xf32, #tpu.memory_space<vmem>>, %arg4: memref<2000x1xf32, #tpu.memory_space<vmem>>) attributes {dimension_semantics = [#tpu.dimension_semantics<arbitrary>], iteration_bounds = array<i64: 5>, scalar_prefetch = 0 : i64, scratch_operands = 0 : i64, tpu.core_type = #tpu.core_type<tc>, window_params = [{transform_indices = @transform_0, window_bounds = array<i64: 2, 2000, 128>}, {transform_indices = @transform_1, window_bounds = array<i64: 2000, 128>}, {transform_indices = @transform_2, window_bounds = array<i64: 2000, 128>}, {transform_indices = @transform_3, window_bounds = array<i64: 2000, 1>}]} {
    %get3A = arith.constant 0 : index
    %get3A_0 = arith.constant 0 : index
    %get3A_1 = arith.constant 0 : index
    %get3A_2 = vector.load %arg1[%get3A, %get3A_0, %get3A_1] : memref<2x2000x128xf32, #tpu.memory_space<vmem>>, vector<1x2000x1xf32>
    %get3A_3 = vector.shape_cast %get3A_2 : vector<1x2000x1xf32> to vector<2000x1xf32>
    %get3A_4 = arith.constant 1 : index
    %get3A_5 = arith.constant 0 : index
    %get3A_6 = arith.constant 0 : index
    %get3A_7 = vector.load %arg1[%get3A_4, %get3A_5, %get3A_6] : memref<2x2000x128xf32, #tpu.memory_space<vmem>>, vector<1x2000x1xf32>
    %get3A_8 = vector.shape_cast %get3A_7 : vector<1x2000x1xf32> to vector<2000x1xf32>
    %add3A = arith.addf %get3A_3, %get3A_8 : vector<2000x1xf32>
    %add3A_9 = arith.constant 1.000000e+00 : f32
    %add3A_10 = vector.broadcast %add3A_9 : f32 to vector<2000x1xf32>
    %add3A_11 = arith.addf %add3A, %add3A_10 : vector<2000x1xf32>
    %rsqrt3A = math.rsqrt %add3A_11 : vector<2000x1xf32>
    %swap3A = arith.constant 0 : index
    %swap3A_12 = arith.constant 0 : index
    %swap3A_13 = vector.load %arg4[%swap3A, %swap3A_12] : memref<2000x1xf32, #tpu.memory_space<vmem>>, vector<2000x1xf32>
    tpu.vector_store %arg4[%swap3A, %swap3A_12], %rsqrt3A {strides = array<i32>} : memref<2000x1xf32, #tpu.memory_space<vmem>>, vector<2000x1xf32>,
    %get3A_14 = arith.constant 0 : index
    %get3A_15 = arith.constant 0 : index
    %get3A_16 = vector.load %arg2[%get3A_14, %get3A_15] : memref<2000x128xf32, #tpu.memory_space<vmem>>, vector<2000x128xf32>
    %mul3A = vector.broadcast %rsqrt3A : vector<2000x1xf32> to vector<2000x128xf32>
    %mul3A_17 = arith.mulf %get3A_16, %mul3A : vector<2000x128xf32>
    %swap3A_18 = arith.constant 0 : index
    %swap3A_19 = arith.constant 0 : index
    %swap3A_20 = vector.load %arg3[%swap3A_18, %swap3A_19] : memref<2000x128xf32, #tpu.memory_space<vmem>>, vector<2000x128xf32>
    tpu.vector_store %arg3[%swap3A_18, %swap3A_19], %mul3A_17 {strides = array<i32>} : memref<2000x128xf32, #tpu.memory_space<vmem>>, vector<2000x128xf32>,
    return
  }
  func.func @transform_0(%arg0: i32) -> (i32, i32, i32) {
    %c0_i32 = arith.constant 0 : i32
    %c0_i32_0 = arith.constant 0 : i32
    %c0_i32_1 = arith.constant 0 : i32
    return %c0_i32, %arg0, %c0_i32_0 : i32, i32, i32
  }
  func.func @transform_1(%arg0: i32) -> (i32, i32) {
    %c0_i32 = arith.constant 0 : i32
    %c0_i32_0 = arith.constant 0 : i32
    return %arg0, %c0_i32 : i32, i32
  }
  func.func @transform_2(%arg0: i32) -> (i32, i32) {
    %c0_i32 = arith.constant 0 : i32
    %c0_i32_0 = arith.constant 0 : i32
    return %arg0, %c0_i32 : i32, i32
  }
  func.func @transform_3(%arg0: i32) -> (i32, i32) {
    %c0_i32 = arith.constant 0 : i32
    %c0_i32_0 = arith.constant 0 : i32
    return %arg0, %c0_i32 : i32, i32
  }
}

module attributes {stable_mosaic.version = 14 : i64} {
  func.func @body(%arg0: i32, %arg1: memref<2x2000x128xf32, #tpu.memory_space<vmem>>, %arg2: memref<2000x128xf32, #tpu.memory_space<vmem>>, %arg3: memref<2000x1xf32, #tpu.memory_space<vmem>>, %arg4: memref<128x256xf32, #tpu.memory_space<vmem>>, %arg5: memref<1x256xf32, #tpu.memory_space<vmem>>, %arg6: memref<256x128xf32, #tpu.memory_space<vmem>>, %arg7: memref<2000x128xf32, #tpu.memory_space<vmem>>) attributes {dimension_semantics = [#tpu.dimension_semantics<arbitrary>], iteration_bounds = array<i64: 5>, scalar_prefetch = 0 : i64, scratch_operands = 0 : i64, tpu.core_type = #tpu.core_type<tc>, window_params = [{transform_indices = @transform_0, window_bounds = array<i64: 2, 2000, 128>}, {transform_indices = @transform_1, window_bounds = array<i64: 2000, 128>}, {transform_indices = @transform_2, window_bounds = array<i64: 2000, 1>}, {pipeline_mode = #tpu.pipeline_mode<synchronous>, transform_indices = @transform_3, window_bounds = array<i64: 128, 256>}, {pipeline_mode = #tpu.pipeline_mode<synchronous>, transform_indices = @transform_4, window_bounds = array<i64: 1, 256>}, {pipeline_mode = #tpu.pipeline_mode<synchronous>, transform_indices = @transform_5, window_bounds = array<i64: 256, 128>}, {transform_indices = @transform_6, window_bounds = array<i64: 2000, 128>}]} {
    %get3A = arith.constant 0 : index
    %get3A_0 = arith.constant 0 : index
    %get3A_1 = vector.load %arg3[%get3A, %get3A_0] : memref<2000x1xf32, #tpu.memory_space<vmem>>, vector<2000x1xf32>
    %get3A_2 = arith.constant 0 : index
    %get3A_3 = arith.constant 0 : index
    %get3A_4 = arith.constant 0 : index
    %get3A_5 = vector.load %arg1[%get3A_2, %get3A_3, %get3A_4] : memref<2x2000x128xf32, #tpu.memory_space<vmem>>, vector<1x2000x128xf32>
    %get3A_6 = vector.shape_cast %get3A_5 : vector<1x2000x128xf32> to vector<2000x128xf32>
    %get3A_7 = arith.constant 1 : index
    %get3A_8 = arith.constant 0 : index
    %get3A_9 = arith.constant 0 : index
    %get3A_10 = vector.load %arg1[%get3A_7, %get3A_8, %get3A_9] : memref<2x2000x128xf32, #tpu.memory_space<vmem>>, vector<1x2000x128xf32>
    %get3A_11 = vector.shape_cast %get3A_10 : vector<1x2000x128xf32> to vector<2000x128xf32>
    %add3A = arith.addf %get3A_6, %get3A_11 : vector<2000x128xf32>
    %get3A_12 = arith.constant 0 : index
    %get3A_13 = arith.constant 0 : index
    %get3A_14 = vector.load %arg2[%get3A_12, %get3A_13] : memref<2000x128xf32, #tpu.memory_space<vmem>>, vector<2000x128xf32>
    %add3A_15 = arith.addf %add3A, %get3A_14 : vector<2000x128xf32>
    %mul3A = vector.broadcast %get3A_1 : vector<2000x1xf32> to vector<2000x128xf32>
    %mul3A_16 = arith.mulf %add3A_15, %mul3A : vector<2000x128xf32>
    %get3A_17 = arith.constant 0 : index
    %get3A_18 = arith.constant 0 : index
    %get3A_19 = vector.load %arg4[%get3A_17, %get3A_18] : memref<128x256xf32, #tpu.memory_space<vmem>>, vector<128x256xf32>
    %dot_general3A = arith.constant dense<0.000000e+00> : vector<2000x256xf32>
    %dot_general3A_20 = tpu.matmul %mul3A_16, %get3A_19, %dot_general3A {dimension_numbers = #tpu.dot_dimension_numbers<[1], [0], [0], [1], [0, 0, 1, 1], [], []>, precision = #tpu.contract_precision<fp32>, transpose_lhs_hint = false} : vector<2000x128xf32>, vector<128x256xf32>, vector<2000x256xf32> -> vector<2000x256xf32>
    %get3A_21 = arith.constant 0 : index
    %get3A_22 = arith.constant 0 : index
    %get3A_23 = vector.load %arg5[%get3A_21, %get3A_22] : memref<1x256xf32, #tpu.memory_space<vmem>>, vector<1x256xf32>
    %add3A_24 = vector.broadcast %get3A_23 : vector<1x256xf32> to vector<2000x256xf32>
    %add3A_25 = arith.addf %dot_general3A_20, %add3A_24 : vector<2000x256xf32>
    %max3A = arith.constant 0.000000e+00 : f32
    %max3A_26 = vector.broadcast %max3A : f32 to vector<2000x256xf32>
    %max3A_27 = arith.maximumf %add3A_25, %max3A_26 : vector<2000x256xf32>
    %get3A_28 = arith.constant 0 : index
    %get3A_29 = arith.constant 0 : index
    %get3A_30 = vector.load %arg6[%get3A_28, %get3A_29] : memref<256x128xf32, #tpu.memory_space<vmem>>, vector<256x128xf32>
    %dot_general3A_31 = arith.constant dense<0.000000e+00> : vector<2000x128xf32>
    %dot_general3A_32 = tpu.matmul %max3A_27, %get3A_30, %dot_general3A_31 {dimension_numbers = #tpu.dot_dimension_numbers<[1], [0], [0], [1], [0, 0, 1, 1], [], []>, precision = #tpu.contract_precision<fp32>, transpose_lhs_hint = false} : vector<2000x256xf32>, vector<256x128xf32>, vector<2000x128xf32> -> vector<2000x128xf32>
    %mul3A_33 = vector.broadcast %get3A_1 : vector<2000x1xf32> to vector<2000x128xf32>
    %mul3A_34 = arith.mulf %dot_general3A_32, %mul3A_33 : vector<2000x128xf32>
    %swap3A = arith.constant 0 : index
    %swap3A_35 = arith.constant 0 : index
    %swap3A_36 = vector.load %arg7[%swap3A, %swap3A_35] : memref<2000x128xf32, #tpu.memory_space<vmem>>, vector<2000x128xf32>
    tpu.vector_store %arg7[%swap3A, %swap3A_35], %mul3A_34 {strides = array<i32>} : memref<2000x128xf32, #tpu.memory_space<vmem>>, vector<2000x128xf32>,
    return
  }
  func.func @transform_0(%arg0: i32) -> (i32, i32, i32) {
    %c0_i32 = arith.constant 0 : i32
    %c0_i32_0 = arith.constant 0 : i32
    %c0_i32_1 = arith.constant 0 : i32
    return %c0_i32, %arg0, %c0_i32_0 : i32, i32, i32
  }
  func.func @transform_1(%arg0: i32) -> (i32, i32) {
    %c0_i32 = arith.constant 0 : i32
    %c0_i32_0 = arith.constant 0 : i32
    return %arg0, %c0_i32 : i32, i32
  }
  func.func @transform_2(%arg0: i32) -> (i32, i32) {
    %c0_i32 = arith.constant 0 : i32
    %c0_i32_0 = arith.constant 0 : i32
    return %arg0, %c0_i32 : i32, i32
  }
  func.func @transform_3(%arg0: i32) -> (i32, i32) {
    %c0_i32 = arith.constant 0 : i32
    %c0_i32_0 = arith.constant 0 : i32
    %c0_i32_1 = arith.constant 0 : i32
    return %c0_i32, %c0_i32_0 : i32, i32
  }
  func.func @transform_4(%arg0: i32) -> (i32, i32) {
    %c0_i32 = arith.constant 0 : i32
    %c0_i32_0 = arith.constant 0 : i32
    %c0_i32_1 = arith.constant 0 : i32
    return %c0_i32, %c0_i32_0 : i32, i32
  }
  func.func @transform_5(%arg0: i32) -> (i32, i32) {
    %c0_i32 = arith.constant 0 : i32
    %c0_i32_0 = arith.constant 0 : i32
    %c0_i32_1 = arith.constant 0 : i32
    return %c0_i32, %c0_i32_0 : i32, i32
  }
  func.func @transform_6(%arg0: i32) -> (i32, i32) {
    %c0_i32 = arith.constant 0 : i32
    %c0_i32_0 = arith.constant 0 : i32
    return %arg0, %c0_i32 : i32, i32
  }
}

module attributes {stable_mosaic.version = 14 : i64} {
  func.func @body(%arg0: i32, %arg1: memref<2x2000x128xf32, #tpu.memory_space<vmem>>, %arg2: memref<2000x128xf32, #tpu.memory_space<vmem>>, %arg3: memref<2000x1xf32, #tpu.memory_space<vmem>>, %arg4: memref<1x128xf32, #tpu.memory_space<vmem>>, %arg5: memref<2000x128xf32, #tpu.memory_space<vmem>>) attributes {dimension_semantics = [#tpu.dimension_semantics<arbitrary>], iteration_bounds = array<i64: 5>, scalar_prefetch = 0 : i64, scratch_operands = 0 : i64, tpu.core_type = #tpu.core_type<tc>, window_params = [{transform_indices = @transform_0, window_bounds = array<i64: 2, 2000, 128>}, {transform_indices = @transform_1, window_bounds = array<i64: 2000, 128>}, {transform_indices = @transform_2, window_bounds = array<i64: 2000, 1>}, {pipeline_mode = #tpu.pipeline_mode<synchronous>, transform_indices = @transform_3, window_bounds = array<i64: 1, 128>}, {transform_indices = @transform_4, window_bounds = array<i64: 2000, 128>}]} {
    %get3A = arith.constant 0 : index
    %get3A_0 = arith.constant 0 : index
    %get3A_1 = arith.constant 0 : index
    %get3A_2 = vector.load %arg1[%get3A, %get3A_0, %get3A_1] : memref<2x2000x128xf32, #tpu.memory_space<vmem>>, vector<1x2000x128xf32>
    %get3A_3 = vector.shape_cast %get3A_2 : vector<1x2000x128xf32> to vector<2000x128xf32>
    %get3A_4 = arith.constant 1 : index
    %get3A_5 = arith.constant 0 : index
    %get3A_6 = arith.constant 0 : index
    %get3A_7 = vector.load %arg1[%get3A_4, %get3A_5, %get3A_6] : memref<2x2000x128xf32, #tpu.memory_space<vmem>>, vector<1x2000x128xf32>
    %get3A_8 = vector.shape_cast %get3A_7 : vector<1x2000x128xf32> to vector<2000x128xf32>
    %add3A = arith.addf %get3A_3, %get3A_8 : vector<2000x128xf32>
    %get3A_9 = arith.constant 0 : index
    %get3A_10 = arith.constant 0 : index
    %get3A_11 = vector.load %arg2[%get3A_9, %get3A_10] : memref<2000x128xf32, #tpu.memory_space<vmem>>, vector<2000x128xf32>
    %add3A_12 = arith.addf %add3A, %get3A_11 : vector<2000x128xf32>
    %get3A_13 = arith.constant 0 : index
    %get3A_14 = arith.constant 0 : index
    %get3A_15 = vector.load %arg3[%get3A_13, %get3A_14] : memref<2000x1xf32, #tpu.memory_space<vmem>>, vector<2000x1xf32>
    %mul3A = vector.broadcast %get3A_15 : vector<2000x1xf32> to vector<2000x128xf32>
    %mul3A_16 = arith.mulf %add3A_12, %mul3A : vector<2000x128xf32>
    %get3A_17 = arith.constant 0 : index
    %get3A_18 = arith.constant 0 : index
    %get3A_19 = vector.load %arg4[%get3A_17, %get3A_18] : memref<1x128xf32, #tpu.memory_space<vmem>>, vector<1x128xf32>
    %add3A_20 = vector.broadcast %get3A_19 : vector<1x128xf32> to vector<2000x128xf32>
    %add3A_21 = arith.addf %mul3A_16, %add3A_20 : vector<2000x128xf32>
    %swap3A = arith.constant 0 : index
    %swap3A_22 = arith.constant 0 : index
    %swap3A_23 = vector.load %arg5[%swap3A, %swap3A_22] : memref<2000x128xf32, #tpu.memory_space<vmem>>, vector<2000x128xf32>
    tpu.vector_store %arg5[%swap3A, %swap3A_22], %add3A_21 {strides = array<i32>} : memref<2000x128xf32, #tpu.memory_space<vmem>>, vector<2000x128xf32>,
    return
  }
  func.func @transform_0(%arg0: i32) -> (i32, i32, i32) {
    %c0_i32 = arith.constant 0 : i32
    %c0_i32_0 = arith.constant 0 : i32
    %c0_i32_1 = arith.constant 0 : i32
    return %c0_i32, %arg0, %c0_i32_0 : i32, i32, i32
  }
  func.func @transform_1(%arg0: i32) -> (i32, i32) {
    %c0_i32 = arith.constant 0 : i32
    %c0_i32_0 = arith.constant 0 : i32
    return %arg0, %c0_i32 : i32, i32
  }
  func.func @transform_2(%arg0: i32) -> (i32, i32) {
    %c0_i32 = arith.constant 0 : i32
    %c0_i32_0 = arith.constant 0 : i32
    return %arg0, %c0_i32 : i32, i32
  }
  func.func @transform_3(%arg0: i32) -> (i32, i32) {
    %c0_i32 = arith.constant 0 : i32
    %c0_i32_0 = arith.constant 0 : i32
    %c0_i32_1 = arith.constant 0 : i32
    return %c0_i32, %c0_i32_0 : i32, i32
  }
  func.func @transform_4(%arg0: i32) -> (i32, i32) {
    %c0_i32 = arith.constant 0 : i32
    %c0_i32_0 = arith.constant 0 : i32
    return %arg0, %c0_i32 : i32, i32
  }
}

</mosaic_0001>

<sc_bundles>
// kernel: kernel.11.cloned.1.call-start
scs
__scs_entry_jumppad:
0x0: {  	(pc) =	sbr.rel $0x88, $3  }
0x1: {  	(tag) =	ssettag $0x0;
	lr =	simm.s32 $0x1  }
0x2: {  	[smem:$0x3F9B] =	sst lr;
	_ =	strace $0xD0000000  }
0x3: {  	_ = 	snop  }
0x4: {  	_ = 	snop  }
0x5: {  	_ = 	snop  }
0x6: {  	_ = 	snop  }
0x7: {  	_ = 	snop  }
__scs_overlays_trampoline_lowered:
0x8: {  	[smem:$0x3FAA] =	sst s0  }
0x9: {  	[smem:$0x3FAB] =	sst s1  }
0xa: {  	[smem:$0x3FAC] =	sst s2  }
0xb: {  	[smem:$0x3FAD] =	sst s3  }
0xc: {  	[smem:$0x3FAE] =	sst s4  }
0xd: {  	[smem:$0x3FAF] =	sst s5  }
0xe: {  	[smem:$0x3FB0] =	sst s6  }
0xf: {  	[smem:$0x3FB1] =	sst s7  }
0x10: {  	[smem:$0x3FB2] =	sst s8  }
0x11: {  	[smem:$0x3FB3] =	sst s9;
	s0 =	simm.s32 @!p0 $0x0  }
0x12: {  	s1 =	sld [smem:$0x3F99];
	s0 =	simm.s32 @p0 $0x1  }
0x13: {  	[smem:$0x3FB4] =	sst s0;
	s0 =	simm.s32 @!p1 $0x0  }
0x14: {  	s2 =	sld [smem:$0x3F98];
	s0 =	simm.s32 @p1 $0x1  }
0x15: {  	[smem:$0x3FB5] =	sst s0;
	s0 =	simm.s32 @!p2 $0x0  }
0x16: {  	s3 =	sld [smem:$0x3FDB];
	s0 =	simm.s32 @p2 $0x1  }
0x17: {  	s4 =	simm.s32 $0x1BF5;
	[smem:$0x3FB7] =	sst s0  }
0x18: {  	s0 =	sld [smem:$0x3F9A];
	_ =	swait.ge [sflag:s4], $0x0  }
0x19: {  	s7 =	sld [smem:$0x3F9B]  }
0x1a: {  	s8 =	sadd.s32 $0xFFFFE003, lr  }
0x1b: {  	s9 =	sadd.s32 $0xFFFFFEF7, lr;
	s5 =	simm.s32 $0xFFFFFFFF;
	p2 =	slt.u32 s8, $0xFFFFF086  }
0x1c: {  	p1 =	slt.u32 s9, $0xF7A;
	s5 =	simm.s32 @!p2 $0x0  }
0x1d: {  	s5 =	simm.s32 @p1 $0x1;
	p0 =	seq.s32 s7, s2  }
0x1e: {  	s7 =	smul.u32 @!p0 $0xF7A, s2;
	p2 =	seq.s32 @!p0 s5, $0x0  }
0x1f: {  	s9 =	smul.u32 $0xF7A, s1;
	s8 =	simm.s32 @!p0 $0x1BF5;
	p2 =	por !p2, p0  }
0x20: {  	[sflag:s8] =	ssyncset.s32 @!p0 $0xFFFFF086;
	s6 =	sadd.s32 @!p0 s3, s7;
	s7 =	simm.s32 @!p0 $0x108  }
0x21: {  	s3 =	sadd.s32 s3, s9;
	s6 =	sadd.s32 @!p0 $0x88, s6;
	s7 =	simm.s32 @p2 $0x1082  }
0x22: {  	[simem:s7], [sflag:s8] =	dma.local @!p0 [hbm:s6], $0xF7A  }
0x23: {  	s9 =	sor.u32 $0xD0000000, s2;
	s6 =	simm.s32 $0x108;
	_ =	swait.ge @!p0 [sflag:s8], $0x0  }
0x24: {  	s3 =	sadd.s32 $0x88, s3;
	s6 =	simm.s32 @!p1 $0x1082;
	[sflag:s4] =	ssyncset.s32 $0xFFFFF086  }
0x25: {  	[simem:s6], [sflag:s4] =	dma.local [hbm:s3], $0xF7A  }
0x26: {  	[smem:$0x3F9B] =	sst s1;
	(tag) =	ssettag s2;
	_ =	strace s9  }
0x27: {  	s1 =	sld [smem:$0x3FAB]  }
0x28: {  	s2 =	sld [smem:$0x3FAC]  }
0x29: {  	s4 =	sld [smem:$0x3FAE]  }
0x2a: {  	p0 =	seq.s32 s5, $0x0;
	s5 =	sld [smem:$0x3FAF]  }
0x2b: {  	s6 =	sld [smem:$0x3FB0]  }
0x2c: {  	s7 =	sld [smem:$0x3FB1]  }
0x2d: {  	s3 =	simm.s32 $0x108;
	s8 =	sld [smem:$0x3FB2]  }
0x2e: {  	s3 =	simm.s32 @!p0 $0x1082;
	s9 =	sld [smem:$0x3FB3]  }
0x2f: {  	lr =	sadd.s32 s0, s3;
	s0 =	sld [smem:$0x3FAA]  }
0x30: {  	s3 =	sld [smem:$0x3FAD]  }
0x31: {  	[smem:$0x3FB6] =	sst s10  }
0x32: {  	s10 =	sld [smem:$0x3FB4];
	_ =	sdelay $0x3  }
0x33: {  	p0 =	seq.s32 s10, $0x1;
	s10 =	sld [smem:$0x3FB6];
	_ =	sdelay $0x3  }
0x34: {  	[smem:$0x3FB6] =	sst s10  }
0x35: {  	s10 =	sld [smem:$0x3FB5];
	_ =	sdelay $0x3  }
0x36: {  	p1 =	seq.s32 s10, $0x1;
	s10 =	sld [smem:$0x3FB6];
	_ =	sdelay $0x3  }
0x37: {  	[smem:$0x3FB6] =	sst s10  }
0x38: {  	s10 =	sld [smem:$0x3FB7]  }
0x39: {  	_ = 	snop;
	(pc) =	sbr.ind lr, $3  }
0x3a: {  	_ = 	snop  }
0x3b: {  	_ = 	snop  }
0x3c: {  	p2 =	seq.s32 s10, $0x1;
	s10 =	sld [smem:$0x3FB6]  }
0x3d: {  	_ =	shalt  }
0x3e: {  	_ =	shalt  }
0x3f: {  	_ =	shalt  }
0x40: {  	_ =	shalt  }
0x41: {  	_ =	shalt  }
0x42: {  	_ =	shalt  }
0x43: {  	_ =	shalt  }
0x44: {  	_ =	shalt  }
0x45: {  	_ =	shalt  }
0x46: {  	_ =	shalt  }
0x47: {  	_ =	shalt  }
0x48: {  	_ =	shalt  }
0x49: {  	_ =	shalt  }
0x4a: {  	_ =	shalt  }
0x4b: {  	_ =	shalt  }
0x4c: {  	_ =	shalt  }
0x4d: {  	_ =	shalt  }
0x4e: {  	_ =	shalt  }
0x4f: {  	_ =	shalt  }
0x50: {  	_ =	shalt  }
0x51: {  	_ =	shalt  }
0x52: {  	_ =	shalt  }
0x53: {  	_ =	shalt  }
0x54: {  	_ =	shalt  }
0x55: {  	_ =	shalt  }
0x56: {  	_ =	shalt  }
0x57: {  	_ =	shalt  }
0x58: {  	_ =	shalt  }
0x59: {  	_ =	shalt  }
0x5a: {  	_ =	shalt  }
0x5b: {  	_ =	shalt  }
0x5c: {  	_ =	shalt  }
0x5d: {  	_ =	shalt  }
0x5e: {  	_ =	shalt  }
0x5f: {  	_ =	shalt  }
0x60: {  	_ =	shalt  }
0x61: {  	_ =	shalt  }
0x62: {  	_ =	shalt  }
0x63: {  	_ =	shalt  }
0x64: {  	_ =	shalt  }
0x65: {  	_ =	shalt  }
0x66: {  	_ =	shalt  }
0x67: {  	_ =	shalt  }
0x68: {  	_ =	shalt  }
0x69: {  	_ =	shalt  }
0x6a: {  	_ =	shalt  }
0x6b: {  	_ =	shalt  }
0x6c: {  	_ =	shalt  }
0x6d: {  	_ =	shalt  }
0x6e: {  	_ =	shalt  }
0x6f: {  	_ =	shalt  }
0x70: {  	_ =	shalt  }
0x71: {  	_ =	shalt  }
0x72: {  	_ =	shalt  }
0x73: {  	_ =	shalt  }
0x74: {  	_ =	shalt  }
0x75: {  	_ =	shalt  }
0x76: {  	_ =	shalt  }
0x77: {  	_ =	shalt  }
0x78: {  	_ =	shalt  }
0x79: {  	_ =	shalt  }
0x7a: {  	_ =	shalt  }
0x7b: {  	_ =	shalt  }
0x7c: {  	_ =	shalt  }
0x7d: {  	_ =	shalt  }
0x7e: {  	_ =	shalt  }
0x7f: {  	_ =	shalt  }
0x80: {  	_ =	shalt  }
0x81: {  	_ =	shalt  }
0x82: {  	_ =	shalt  }
0x83: {  	_ =	shalt  }
0x84: {  	_ =	shalt  }
0x85: {  	_ =	shalt  }
0x86: {  	_ =	shalt  }
0x87: {  	_ =	shalt  }
.Lfunc_end0:
.L_simem_size_0:
called_computation.1_lowered:
.L_overlay_start_0:
0x88: {  	s2 =	sld [smem:$0x3FD9]  }
0x89: {  	s3 =	sld [smem:$0x3FFE];
	_ =	sdelay $0x1  }
0x8a: {  	s1 =	srdreg.scid  }
0x8b: {  	s0 =	sand.u32 $0x1, s1  }
0x8c: {  	s17 =	sshll.u32 s0, $0xA;
	s2 =	sadd.s32 s3, s2  }
0x8d: {  	s2 =	sadd.s32 s2, s17  }
0x8e: {  	[smem:$0x3FC2] =	sst s2  }
0x8f: {  	_ = 	snop  }
0x90: {  	s2 =	sld [smem:$0x3FD0];
	(tm) =	ssettm $0x1  }
0x91: {  	s18 =	sld [smem:$0x3FFB];
	_ =	sdelay $0x3  }
0x92: {  	_ =	strace s18  }
0x93: {  	s3 =	sld [smem:$0x3FFC];
	_ =	sdelay $0x3  }
0x94: {  	_ =	strace s3  }
0x95: {  	s3 =	sld [smem:$0x3FFD];
	_ =	sdelay $0x3  }
0x96: {  	_ =	strace s3  }
0x97: {  	_ =	strace $0x8FFFFFFF  }
0x98: {  	s19 =	sld [smem:$0x3FDB];
	_ =	sdelay $0x1  }
0x99: {  	s4 =	simm.s32 $_scs_section_size  }
0x9a: {  	s5 =	simm.s32 $_size__tile_overlayer_lowered;
	s6 =	simm.s32 $_tile_overlayer_lowered  }
0x9b: {  	s22 =	simm.s32 $0x1BFF;
	s21 =	sshll.u32 s6, $0x1;
	s3 =	sadd.s32 s4, s19  }
0x9c: {  	s7 =	simm.s32 $0x0;
	s20 =	sshll.u32 s5, $0x1;
	s5 =	sadd.s32 s21, s3  }
0x9d: {  	[timem:s7], [sflag:s22] =	dma.local [hbm:s5], s20  }
0x9e: {  	_ =	swait.ge [sflag:s22], s20  }
0x9f: {  	s4 =	ssub.s32 $0x0, s20;
	[sflag:s22] =	ssyncset.done $0x0  }
0xa0: {  	[sflag:s22] =	ssyncadd.s32 s4;
	_ =	sdelay $0x1  }
0xa1: {  	s23 =	simm.s32 $0x1B8B  }
0xa2: {  	_ =	swait.ge [sflag:s23], $0x1  }
0xa3: {  	[sflag:s23] =	ssyncset.done $0x0  }
0xa4: {  	s25 =	simm.s32 $0x1B8E;
	s24 =	sld [smem:$0x3FFE];
	[sflag:s23] =	ssyncadd.s32 $0xFFFFFFFF  }
0xa5: {  	s26 =	simm.s32 $execute0_lowered;
	[smem:$0x3FD2] =	sst s25  }
0xa6: {  	s5 =	sshll.u32 s26, $0x1;
	_ =	strace $0x80000049;
	[dreg:$0x1] =	wrdreg $0xFFFFFFFF  }
0xa7: {  	s28 =	simm.s32 $_size_execute0_lowered;
	s3 =	sadd.s32 s3, s5;
	[dreg:$0x0] =	wrdreg $0x0  }
0xa8: {  	s5 =	sshll.u32 s28, $0x1;
	[dreg:$0x2] =	wrdreg s3  }
0xa9: {  	[dreg:$0x3] =	wrdreg s5  }
0xaa: {  	[dreg:$0x4] =	wrdreg $0xC0  }
0xab: {  	_ =	task [dreg:s7], $0x5FFFF  }
0xac: {  	[dreg:$0x1] =	wrdreg $0xFFFFFFFF  }
0xad: {  	[dreg:$0x0] =	wrdreg $0x60  }
0xae: {  	[dreg:$0x2] =	wrdreg s2  }
0xaf: {  	[dreg:$0x3] =	wrdreg s24  }
0xb0: {  	[dreg:$0x4] =	wrdreg $0x0  }
0xb1: {  	[dreg:$0x5] =	wrdreg $0x9  }
0xb2: {  	_ =	task.clear_ibuf [dreg:s7], $0x6FFFF;
	_ =	strace $0x90000049  }
0xb3: {  	s29 =	simm.s32 $0x9;
	_ =	strace $0x8000004B  }
0xb4: {  	_ =	swait.ge [sflag:s29], $0x1  }
0xb5: {  	[sflag:s29] =	ssyncadd.s32 $0xFFFFFFFF  }
0xb6: {  	_ =	strace $0x9000004B  }
0xb7: {  	_ =	sfence  }
0xb8: {  	s30 =	sld [smem:$0x0];
	_ =	sdelay $0x2  }
0xb9: {  	s31 =	sshll.u32 s1, $0xD;
	s1 =	sshrl.u32 s1, $0x2  }
0xba: {  	s3 =	sand.u32 $0x4000, s31;
	s1 =	sadd.s32 s1, s30  }
0xbb: {  	s0 =	sor.u32 s3, s0;
	s1 =	sshll.u32 s1, $0x11  }
0xbc: {  	s0 =	sor.u32 s1, s0  }
0xbd: {  	s0 =	sadd.s32 $0x8F2B, s0  }
0xbe: {  	[sflag:s0] =	ssyncadd.remote.s32 $0x1  }
0xbf: {  	_ =	sfence.sel $0xFFFF  }
0xc0: {  	[dreg:$0x0] =	wrdreg $0xFFFFFFFF;
	(pc) =	sbr.abs _section_cstart, $3  }
0xc1: {  	[dreg:$0x1] =	wrdreg $0xFFFFFFFF  }
0xc2: {  	_ =	task.clear_ibuf [dreg:s7], $0x2FFFF;
	_ =	strace $0x9FFFFFFF  }
0xc3: {  	(tm) =	ssettm $0x7FFFFFFF  }
tec
execute0_lowered:
.L_overlay_start_1:
0x0: {  	(tag) =	ssettag $0x1  }
0x1: {  	s1 =	rddreg [dreg:$0x0]  }
0x2: {  	s0 =	rddreg [dreg:$0x1]  }
0x3: {  	s3 =	rddreg [dreg:$0x2];
	s4 =	simm.s32 $0x0;
	s13 =	stileid.u32  }
0x4: {  	s2 =	srdreg.scid;
	s28 =	simm.s32 $0x7;
	s29 =	simm.s32 $0x18200  }
0x5: {  	s30 =	simm.s32 $0x1;
	s31 =	simm.s32 $0x6;
	[smem:$0x7FF] =	sst s4  }
0x6: {  	s7 =	smul.u32 $0x2800, s13;
	s2 =	sand.u32 $0x1, s2;
	s5 =	sadd.s32 $0x2000, s0  }
0x7: {  	s6 =	sadd.s32 $0xBE00, s0;
	s10 =	smul.u32 $0x50000, s13;
	s11 =	sshll.u32 s13, $0x1  }
0x8: {  	s20 =	sshll.u32 s13, $0x6;
	s22 =	sshll.u32 s13, $0x5;
	_ =	strace $0x8000004A  }
0x9: {  	s8 =	smul.u32 $0x28000, s2;
	s17 =	ssub.s32 $0x2, s2;
	s19 =	sor.u32 s2, s11  }
0xa: {  	s2 =	sshll.u32 s2, $0x4;
	s9 =	sadd.s32 s7, s0;
	s18 =	sshrl.u32 s17, $0x1  }
0xb: {  	s10 =	sshrl.u32 s10, $0x2;
	s21 =	sshll.u32 s19, $0x4;
	s11 =	sor.u32 s2, s22  }
0xc: {  	s22 =	simm.s32 $0x14100;
	s7 =	sadd.s32 s7, s8;
	s12 =	sadd.s32 s10, s3  }
0xd: {  	s9 =	sadd.s32 $0x15C00, s9;
	s8 =	sor.u32 $0x20, s19;
	s10 =	sand.u32 $0x70, s21  }
0xe: {  	s2 =	sand.u32 $0x70, s11;
	s24 =	sand.u32 $0x180, s11;
	s21 =	simm.s32 $0x14080  }
0xf: {  	s0 =	sadd.s32 s7, s0;
	s7 =	ssub.s32 s17, s18;
	[dreg:$0x4] =	wrdreg s9  }
0x10: {  	s18 =	sor.u32 $0x1C09, s20;
	[dreg:$0x6] =	wrdreg s8;
	s8 =	sshll.u32 s8, $0x4  }
0x11: {  	s26 =	sadd.s32 s24, s5;
	s13 =	sshrl.u32 s12, $0x3;
	s20 =	simm.s32 $0x14000  }
0x12: {  	s9 =	simm.s32 $0xA;
	s12 =	simm.s32 $0x0;
	s8 =	sand.u32 $0x380, s8  }
0x13: {  	s0 =	sadd.s32 $0x3DC00, s0;
	s7 =	smax.u32 s7, $0x1;
	[dreg:$0x5] =	wrdreg s18  }
0x14: {  	s16 =	sadd.s32 s2, s26;
	s26 =	simm.s32 $0x14200;
	[dreg:$0x9] =	wrdreg s13  }
.Ltmp0:
0x15: {  	[dreg:$0x7] =	wrdreg s0;
	s23 =	sadd.s32 s8, s5;
	(pc) =	sbr.rel .LBB2_1-.Ltmp0, $4  }
0x16: {  	[dreg:$0x8] =	wrdreg s7;
	s25 =	sadd.s32 s8, s6;
	s0 =	sadd.s32 s24, s6  }
0x17: {  	s24 =	simm.s32 $0x5;
	s7 =	simm.s32 $0x3;
	s14 =	sadd.s32 s2, s23  }
0x18: {  	s15 =	sadd.s32 s2, s25;
	s17 =	sadd.s32 s2, s0;
	s23 =	simm.s32 $0x14180  }
0x19: {  	s25 =	simm.s32 $0x80;
	s0 =	simm.s32 $0x2;
	s2 =	simm.s32 $0x8  }
.LBB2_8:
0x1a: {  	[bflag:$0x0] =	sbarrier.arrive $0xFFFF  }
0x1b: {  	s18 =	rddreg [dreg:$0x5]  }
0x1c: {  	s8 =	rddreg [dreg:$0x7]  }
0x1d: {  	s19 =	simm.s32 $0x9;
	s13 =	rddreg [dreg:$0x9]  }
0x1e: {  	[hbm:s8], [sflag:s18] =	dma.local [spmem:s13], $0x2800  }
0x1f: {  	_ =	swait.ge [sflag:s19], $0x2800  }
0x20: {  	s12 =	sadd.s32 $0x1, s12;
	[sflag:s19] =	ssyncset.done $0x0;
	s19 =	rddreg [dreg:$0x8]  }
0x21: {  	p0 =	sne.s32 s12, s19  }
.Ltmp1:
0x22: {  	_ = 	snop;
	(pc) =	sbr.rel @!p0 .LBB2_9-.Ltmp1, $3  }
0x23: {  	_ =	sdelay $0x1  }
0x24: {  	s19 =	simm.s32 $0x9  }
0x25: {  	[sflag:s19] =	ssyncadd.s32 $0xFFFFD800  }
.LBB2_1:
0x26: {  	s19 =	simm.s32 $0x9;
	s8 =	rddreg [dreg:$0x4]  }
0x27: {  	[spmem:s13], [sflag:s18] =	dma.local [hbm:s8], $0x2800  }
.Ltmp2:
0x28: {  	_ =	swait.ge [sflag:s19], $0x2800;
	(pc) =	sbr.rel .LBB2_2-.Ltmp2, $4  }
0x29: {  	[sflag:s19] =	ssyncset.done $0x0  }
0x2a: {  	[sflag:s19] =	ssyncadd.s32 $0xFFFFD800  }
0x2b: {  	[bflag:$0x0] =	sbarrier.arrive $0xFFFF  }
0x2c: {  	s8 =	simm.s32 $0x0;
	s13 =	rddreg [dreg:$0x6]  }
.LBB2_3:
0x2d: {  	s18 =	sadd.s32 s8, s16  }
0x2e: {  	[tilespmem:s20], [sflag:$0x5] =	stream.linear.gather [hbm4b:s18+s4], $0x80, $0x38;
	[tilespmem:$0x1C200] =	vst v63  }
0x2f: {  	s19 =	sadd.s32 s8, s17  }
0x30: {  	[tilespmem:s21], [sflag:$0x6] =	stream.linear.gather [hbm4b:s19+s4], $0x80, $0x38;
	[tilespmem:$0x1C200] =	vst v63  }
0x31: {  	s19 =	sadd.s32 s8, s14  }
0x32: {  	[tilespmem:s22], [sflag:$0x7] =	stream.linear.gather [hbm4b:s19+s4], $0x80, $0x38;
	[tilespmem:$0x1C200] =	vst v63  }
0x33: {  	s19 =	sadd.s32 s8, s15  }
0x34: {  	[tilespmem:s23], [sflag:$0x8] =	stream.linear.gather [hbm4b:s19+s4], $0x80, $0x38;
	[tilespmem:$0x1C200] =	vst v63  }
0x35: {  	_ =	swait.ge [sflag:s24], $0x80  }
0x36: {  	[sflag:s24] =	ssyncset.done $0x0  }
0x37: {  	[sflag:s24] =	ssyncadd.s32 $0xFFFFFF80  }
0x38: {  	[tilespmem:s26], [sflag:$0x1] =	stream.indirect.gather [hbm4b:s1+s25], $0x80, s20, s25, $0xb8;
	[tilespmem:$0x1C200] =	vst v63  }
0x39: {  	_ =	swait.ge [sflag:s28], $0x80  }
0x3a: {  	[sflag:s28] =	ssyncset.done $0x0  }
0x3b: {  	[sflag:s28] =	ssyncadd.s32 $0xFFFFFF80  }
0x3c: {  	[tilespmem:s29], [sflag:$0x2] =	stream.indirect.gather [hbm4b:s1+s25], $0x80, s22, s25, $0xb8;
	[tilespmem:$0x1C200] =	vst v63  }
0x3d: {  	_ =	swait.ge [sflag:s30], $0x4000  }
0x3e: {  	[sflag:s30] =	ssyncset.done $0x0  }
0x3f: {  	[sflag:s30] =	ssyncadd.s32 $0xFFFFC000  }
0x40: {  	_ =	swait.ge [sflag:s31], $0x80  }
0x41: {  	[sflag:s31] =	ssyncset.done $0x0  }
0x42: {  	[sflag:s31] =	ssyncadd.s32 $0xFFFFFF80  }
0x43: {  	[spmem:s3] =	stream.indirect.scatter.add.f32 [tilespmem:s26], [sflag:$0x3], $0x80, s21, s25, $0xb8;
	[tilespmem:$0x1C200] =	vst v63  }
0x44: {  	_ =	swait.ge [sflag:s0], $0x4000  }
0x45: {  	[sflag:s0] =	ssyncset.done $0x0  }
0x46: {  	[sflag:s0] =	ssyncadd.s32 $0xFFFFC000  }
0x47: {  	_ =	swait.ge [sflag:s2], $0x80  }
0x48: {  	[sflag:s2] =	ssyncset.done $0x0  }
0x49: {  	[sflag:s2] =	ssyncadd.s32 $0xFFFFFF80  }
0x4a: {  	[spmem:s3] =	stream.indirect.scatter.add.f32 [tilespmem:s29], [sflag:$0x4], $0x80, s23, s25, $0xb8;
	[tilespmem:$0x1C200] =	vst v63  }
0x4b: {  	_ =	swait.ge [sflag:s7], $0x4000  }
0x4c: {  	[sflag:s7] =	ssyncset.done $0x0  }
0x4d: {  	s18 =	simm.s32 $0x4;
	[sflag:s7] =	ssyncadd.s32 $0xFFFFC000  }
.LBB2_6:
0x4e: {  	_ =	swait.ge [sflag:s18], $0x4000  }
0x4f: {  	[sflag:s18] =	ssyncset.done $0x0  }
0x50: {  	[sflag:s18] =	ssyncadd.s32 $0xFFFFC000  }
.LBB2_7:
0x51: {  	s8 =	sadd.s32 $0x400, s8  }
0x52: {  	p0 =	sne.s32 s8, $0xA000  }
.Ltmp3:
0x53: {  	_ = 	snop;
	(pc) =	sbr.rel @!p0 .LBB2_8-.Ltmp3, $2  }
0x54: {  	_ =	sdelay $0x2  }
0x55: {  	s13 =	sadd.s32 $0x40, s13  }
.LBB2_2:
0x56: {  	p0 =	sgt.u32 s13, $0x9C3  }
.Ltmp4:
0x57: {  	_ = 	snop;
	(pc) =	sbr.rel @!p0 .LBB2_3-.Ltmp4, $1  }
0x58: {  	_ =	sdelay $0x3  }
0x59: {  	s18 =	sadd.s32 $0xFFFFF63C, s13  }
0x5a: {  	p0 =	sgt.u32 s18, $0x1F  }
.Ltmp5:
0x5b: {  	_ = 	snop;
	(pc) =	sbr.rel @p0 .LBB2_7-.Ltmp5, $1  }
0x5c: {  	_ =	sdelay $0x3  }
0x5d: {  	s18 =	sadd.s32 s8, s11  }
0x5e: {  	s18 =	sand.u32 $0x9D80, s18  }
0x5f: {  	s18 =	sor.u32 s10, s18  }
0x60: {  	s19 =	sadd.s32 s5, s18  }
0x61: {  	[tilespmem:s20], [sflag:$0xA] =	stream.linear.gather [hbm4b:s19+s4], $0x80, $0x38;
	[tilespmem:$0x1C200] =	vst v63  }
0x62: {  	_ =	swait.ge [sflag:s9], $0x80  }
0x63: {  	[sflag:s9] =	ssyncset.done $0x0  }
0x64: {  	s18 =	sadd.s32 s6, s18;
	[sflag:s9] =	ssyncadd.s32 $0xFFFFFF80  }
0x65: {  	[tilespmem:s21], [sflag:$0xA] =	stream.linear.gather [hbm4b:s18+s4], $0x80, $0x38;
	[tilespmem:$0x1C200] =	vst v63  }
0x66: {  	_ =	swait.ge [sflag:s9], $0x80  }
0x67: {  	[sflag:s9] =	ssyncset.done $0x0  }
0x68: {  	[sflag:s9] =	ssyncadd.s32 $0xFFFFFF80  }
0x69: {  	[tilespmem:s26], [sflag:$0xA] =	stream.indirect.gather [hbm4b:s1+s25], $0x80, s20, s25, $0xb8;
	[tilespmem:$0x1C200] =	vst v63  }
.Ltmp6:
0x6a: {  	_ = 	snop;
	(pc) =	sbr.rel .LBB2_6-.Ltmp6, $4  }
0x6b: {  	_ =	swait.ge [sflag:s9], $0x4000  }
0x6c: {  	[sflag:s9] =	ssyncset.done $0x0  }
0x6d: {  	s18 =	simm.s32 $0x9;
	[sflag:s9] =	ssyncadd.s32 $0xFFFFC000  }
0x6e: {  	[spmem:s3] =	stream.indirect.scatter.add.f32 [tilespmem:s26], [sflag:$0x9], $0x80, s21, s25, $0xb8;
	[tilespmem:$0x1C200] =	vst v63  }
.LBB2_9:
0x6f: {  	_ =	sfence.sel $0x180000  }
0x70: {  	[bflag:$0x0] =	sbarrier.arrive $0xFFFF  }
0x71: {  	_ =	strace $0x9000004A  }
0x72: {  	s0 =	stileid.u32;
	[bflag:$0x2] =	sbarrier.arrive $0xFFFF  }
0x73: {  	p0 =	sne.s32 s0, $0x0;
	s0 =	rddreg [dreg:$0x3]  }
0x74: {  	s0 =	sadd.s32 @!p0 $0x100000, s0  }
0x75: {  	[sflag:s0] =	ssyncadd.tile.s32 @!p0 $0x1;
	_ =	shalt  }
.Lfunc_end2:
_tile_overlayer_lowered:
.L_overlay_start_2:
0x76: {  	(tag) =	ssettag $0x2  }
0x77: {  	s0 =	rddreg [dreg:$0x0];
	s2 =	stileid.u32  }
0x78: {  	s1 =	rddreg [dreg:$0x1];
	p0 =	sne.s32 s2, $0x0  }
0x79: {  	s3 =	rddreg [dreg:$0x2];
	[bflag:$0x3] =	sbarrier.arrive $0xFFFF;
	s2 =	simm.s32 @!p0 $0x1C09  }
0x7a: {  	[timem:s3], [sflag:s2] =	dma.local @!p0 [hbm:s0], s1  }
0x7b: {  	s0 =	simm.s32 @!p0 $0x9  }
0x7c: {  	_ =	swait.ge @!p0 [sflag:s0], s1  }
0x7d: {  	s1 =	ssub.s32 @!p0 $0x0, s1;
	[sflag:s0] =	ssyncset.done @!p0 $0x0  }
0x7e: {  	[sflag:s0] =	ssyncadd.s32 @!p0 s1  }
0x7f: {  	[bflag:$0x3] =	sbarrier.arrive $0xFFFF  }
0x80: {  	_ =	shalt  }

// kernel: kernel.14.cloned.1.call-start
scs
__scs_entry_jumppad:
0x0: {  	(pc) =	sbr.rel $0x88, $3  }
0x1: {  	(tag) =	ssettag $0x0;
	lr =	simm.s32 $0x1  }
0x2: {  	[smem:$0x3F9B] =	sst lr;
	_ =	strace $0xD0000000  }
0x3: {  	_ = 	snop  }
0x4: {  	_ = 	snop  }
0x5: {  	_ = 	snop  }
0x6: {  	_ = 	snop  }
0x7: {  	_ = 	snop  }
__scs_overlays_trampoline_lowered:
0x8: {  	[smem:$0x3FAA] =	sst s0  }
0x9: {  	[smem:$0x3FAB] =	sst s1  }
0xa: {  	[smem:$0x3FAC] =	sst s2  }
0xb: {  	[smem:$0x3FAD] =	sst s3  }
0xc: {  	[smem:$0x3FAE] =	sst s4  }
0xd: {  	[smem:$0x3FAF] =	sst s5  }
0xe: {  	[smem:$0x3FB0] =	sst s6  }
0xf: {  	[smem:$0x3FB1] =	sst s7  }
0x10: {  	[smem:$0x3FB2] =	sst s8  }
0x11: {  	[smem:$0x3FB3] =	sst s9;
	s0 =	simm.s32 @!p0 $0x0  }
0x12: {  	s1 =	sld [smem:$0x3F99];
	s0 =	simm.s32 @p0 $0x1  }
0x13: {  	[smem:$0x3FB4] =	sst s0;
	s0 =	simm.s32 @!p1 $0x0  }
0x14: {  	s2 =	sld [smem:$0x3F98];
	s0 =	simm.s32 @p1 $0x1  }
0x15: {  	[smem:$0x3FB5] =	sst s0;
	s0 =	simm.s32 @!p2 $0x0  }
0x16: {  	s3 =	sld [smem:$0x3FDB];
	s0 =	simm.s32 @p2 $0x1  }
0x17: {  	s4 =	simm.s32 $0x1BF5;
	[smem:$0x3FB7] =	sst s0  }
0x18: {  	s0 =	sld [smem:$0x3F9A];
	_ =	swait.ge [sflag:s4], $0x0  }
0x19: {  	s7 =	sld [smem:$0x3F9B]  }
0x1a: {  	s8 =	sadd.s32 $0xFFFFE003, lr  }
0x1b: {  	s9 =	sadd.s32 $0xFFFFFEF7, lr;
	s5 =	simm.s32 $0xFFFFFFFF;
	p2 =	slt.u32 s8, $0xFFFFF086  }
0x1c: {  	p1 =	slt.u32 s9, $0xF7A;
	s5 =	simm.s32 @!p2 $0x0  }
0x1d: {  	s5 =	simm.s32 @p1 $0x1;
	p0 =	seq.s32 s7, s2  }
0x1e: {  	s7 =	smul.u32 @!p0 $0xF7A, s2;
	p2 =	seq.s32 @!p0 s5, $0x0  }
0x1f: {  	s9 =	smul.u32 $0xF7A, s1;
	s8 =	simm.s32 @!p0 $0x1BF5;
	p2 =	por !p2, p0  }
0x20: {  	[sflag:s8] =	ssyncset.s32 @!p0 $0xFFFFF086;
	s6 =	sadd.s32 @!p0 s3, s7;
	s7 =	simm.s32 @!p0 $0x108  }
0x21: {  	s3 =	sadd.s32 s3, s9;
	s6 =	sadd.s32 @!p0 $0x88, s6;
	s7 =	simm.s32 @p2 $0x1082  }
0x22: {  	[simem:s7], [sflag:s8] =	dma.local @!p0 [hbm:s6], $0xF7A  }
0x23: {  	s9 =	sor.u32 $0xD0000000, s2;
	s6 =	simm.s32 $0x108;
	_ =	swait.ge @!p0 [sflag:s8], $0x0  }
0x24: {  	s3 =	sadd.s32 $0x88, s3;
	s6 =	simm.s32 @!p1 $0x1082;
	[sflag:s4] =	ssyncset.s32 $0xFFFFF086  }
0x25: {  	[simem:s6], [sflag:s4] =	dma.local [hbm:s3], $0xF7A  }
0x26: {  	[smem:$0x3F9B] =	sst s1;
	(tag) =	ssettag s2;
	_ =	strace s9  }
0x27: {  	s1 =	sld [smem:$0x3FAB]  }
0x28: {  	s2 =	sld [smem:$0x3FAC]  }
0x29: {  	s4 =	sld [smem:$0x3FAE]  }
0x2a: {  	p0 =	seq.s32 s5, $0x0;
	s5 =	sld [smem:$0x3FAF]  }
0x2b: {  	s6 =	sld [smem:$0x3FB0]  }
0x2c: {  	s7 =	sld [smem:$0x3FB1]  }
0x2d: {  	s3 =	simm.s32 $0x108;
	s8 =	sld [smem:$0x3FB2]  }
0x2e: {  	s3 =	simm.s32 @!p0 $0x1082;
	s9 =	sld [smem:$0x3FB3]  }
0x2f: {  	lr =	sadd.s32 s0, s3;
	s0 =	sld [smem:$0x3FAA]  }
0x30: {  	s3 =	sld [smem:$0x3FAD]  }
0x31: {  	[smem:$0x3FB6] =	sst s10  }
0x32: {  	s10 =	sld [smem:$0x3FB4];
	_ =	sdelay $0x3  }
0x33: {  	p0 =	seq.s32 s10, $0x1;
	s10 =	sld [smem:$0x3FB6];
	_ =	sdelay $0x3  }
0x34: {  	[smem:$0x3FB6] =	sst s10  }
0x35: {  	s10 =	sld [smem:$0x3FB5];
	_ =	sdelay $0x3  }
0x36: {  	p1 =	seq.s32 s10, $0x1;
	s10 =	sld [smem:$0x3FB6];
	_ =	sdelay $0x3  }
0x37: {  	[smem:$0x3FB6] =	sst s10  }
0x38: {  	s10 =	sld [smem:$0x3FB7]  }
0x39: {  	_ = 	snop;
	(pc) =	sbr.ind lr, $3  }
0x3a: {  	_ = 	snop  }
0x3b: {  	_ = 	snop  }
0x3c: {  	p2 =	seq.s32 s10, $0x1;
	s10 =	sld [smem:$0x3FB6]  }
0x3d: {  	_ =	shalt  }
0x3e: {  	_ =	shalt  }
0x3f: {  	_ =	shalt  }
0x40: {  	_ =	shalt  }
0x41: {  	_ =	shalt  }
0x42: {  	_ =	shalt  }
0x43: {  	_ =	shalt  }
0x44: {  	_ =	shalt  }
0x45: {  	_ =	shalt  }
0x46: {  	_ =	shalt  }
0x47: {  	_ =	shalt  }
0x48: {  	_ =	shalt  }
0x49: {  	_ =	shalt  }
0x4a: {  	_ =	shalt  }
0x4b: {  	_ =	shalt  }
0x4c: {  	_ =	shalt  }
0x4d: {  	_ =	shalt  }
0x4e: {  	_ =	shalt  }
0x4f: {  	_ =	shalt  }
0x50: {  	_ =	shalt  }
0x51: {  	_ =	shalt  }
0x52: {  	_ =	shalt  }
0x53: {  	_ =	shalt  }
0x54: {  	_ =	shalt  }
0x55: {  	_ =	shalt  }
0x56: {  	_ =	shalt  }
0x57: {  	_ =	shalt  }
0x58: {  	_ =	shalt  }
0x59: {  	_ =	shalt  }
0x5a: {  	_ =	shalt  }
0x5b: {  	_ =	shalt  }
0x5c: {  	_ =	shalt  }
0x5d: {  	_ =	shalt  }
0x5e: {  	_ =	shalt  }
0x5f: {  	_ =	shalt  }
0x60: {  	_ =	shalt  }
0x61: {  	_ =	shalt  }
0x62: {  	_ =	shalt  }
0x63: {  	_ =	shalt  }
0x64: {  	_ =	shalt  }
0x65: {  	_ =	shalt  }
0x66: {  	_ =	shalt  }
0x67: {  	_ =	shalt  }
0x68: {  	_ =	shalt  }
0x69: {  	_ =	shalt  }
0x6a: {  	_ =	shalt  }
0x6b: {  	_ =	shalt  }
0x6c: {  	_ =	shalt  }
0x6d: {  	_ =	shalt  }
0x6e: {  	_ =	shalt  }
0x6f: {  	_ =	shalt  }
0x70: {  	_ =	shalt  }
0x71: {  	_ =	shalt  }
0x72: {  	_ =	shalt  }
0x73: {  	_ =	shalt  }
0x74: {  	_ =	shalt  }
0x75: {  	_ =	shalt  }
0x76: {  	_ =	shalt  }
0x77: {  	_ =	shalt  }
0x78: {  	_ =	shalt  }
0x79: {  	_ =	shalt  }
0x7a: {  	_ =	shalt  }
0x7b: {  	_ =	shalt  }
0x7c: {  	_ =	shalt  }
0x7d: {  	_ =	shalt  }
0x7e: {  	_ =	shalt  }
0x7f: {  	_ =	shalt  }
0x80: {  	_ =	shalt  }
0x81: {  	_ =	shalt  }
0x82: {  	_ =	shalt  }
0x83: {  	_ =	shalt  }
0x84: {  	_ =	shalt  }
0x85: {  	_ =	shalt  }
0x86: {  	_ =	shalt  }
0x87: {  	_ =	shalt  }
.Lfunc_end0:
.L_simem_size_0:
called_computation.2_lowered:
.L_overlay_start_0:
0x88: {  	s2 =	sld [smem:$0x3FD9]  }
0x89: {  	s3 =	sld [smem:$0x3FFE];
	_ =	sdelay $0x1  }
0x8a: {  	s1 =	srdreg.scid  }
0x8b: {  	s0 =	sand.u32 $0x1, s1  }
0x8c: {  	s17 =	sshll.u32 s0, $0xA;
	s2 =	sadd.s32 s3, s2  }
0x8d: {  	s2 =	sadd.s32 s2, s17  }
0x8e: {  	[smem:$0x3FC2] =	sst s2  }
0x8f: {  	_ = 	snop  }
0x90: {  	s2 =	sld [smem:$0x3FD0];
	(tm) =	ssettm $0x1  }
0x91: {  	s18 =	sld [smem:$0x3FFB];
	_ =	sdelay $0x3  }
0x92: {  	_ =	strace s18  }
0x93: {  	s3 =	sld [smem:$0x3FFC];
	_ =	sdelay $0x3  }
0x94: {  	_ =	strace s3  }
0x95: {  	s3 =	sld [smem:$0x3FFD];
	_ =	sdelay $0x3  }
0x96: {  	_ =	strace s3  }
0x97: {  	_ =	strace $0x8FFFFFFF  }
0x98: {  	s19 =	sld [smem:$0x3FDB];
	_ =	sdelay $0x1  }
0x99: {  	s4 =	simm.s32 $_scs_section_size  }
0x9a: {  	s5 =	simm.s32 $_size__tile_overlayer_lowered;
	s6 =	simm.s32 $_tile_overlayer_lowered  }
0x9b: {  	s22 =	simm.s32 $0x1BFF;
	s21 =	sshll.u32 s6, $0x1;
	s3 =	sadd.s32 s4, s19  }
0x9c: {  	s7 =	simm.s32 $0x0;
	s20 =	sshll.u32 s5, $0x1;
	s5 =	sadd.s32 s21, s3  }
0x9d: {  	[timem:s7], [sflag:s22] =	dma.local [hbm:s5], s20  }
0x9e: {  	_ =	swait.ge [sflag:s22], s20  }
0x9f: {  	s4 =	ssub.s32 $0x0, s20;
	[sflag:s22] =	ssyncset.done $0x0  }
0xa0: {  	[sflag:s22] =	ssyncadd.s32 s4;
	_ =	sdelay $0x1  }
0xa1: {  	s23 =	simm.s32 $0x1B8B  }
0xa2: {  	_ =	swait.ge [sflag:s23], $0x1  }
0xa3: {  	[sflag:s23] =	ssyncset.done $0x0  }
0xa4: {  	s25 =	simm.s32 $0x1B8E;
	s24 =	sld [smem:$0x3FFE];
	[sflag:s23] =	ssyncadd.s32 $0xFFFFFFFF  }
0xa5: {  	s26 =	simm.s32 $execute0_lowered;
	[smem:$0x3FD2] =	sst s25  }
0xa6: {  	s5 =	sshll.u32 s26, $0x1;
	_ =	strace $0x8000004C;
	[dreg:$0x1] =	wrdreg $0xFFFFFFFF  }
0xa7: {  	s28 =	simm.s32 $_size_execute0_lowered;
	s3 =	sadd.s32 s3, s5;
	[dreg:$0x0] =	wrdreg $0x0  }
0xa8: {  	s5 =	sshll.u32 s28, $0x1;
	[dreg:$0x2] =	wrdreg s3  }
0xa9: {  	[dreg:$0x3] =	wrdreg s5  }
0xaa: {  	[dreg:$0x4] =	wrdreg $0xC0  }
0xab: {  	_ =	task [dreg:s7], $0x5FFFF  }
0xac: {  	[dreg:$0x1] =	wrdreg $0xFFFFFFFF  }
0xad: {  	[dreg:$0x0] =	wrdreg $0x60  }
0xae: {  	[dreg:$0x2] =	wrdreg s2  }
0xaf: {  	[dreg:$0x3] =	wrdreg s24  }
0xb0: {  	[dreg:$0x4] =	wrdreg $0x0  }
0xb1: {  	[dreg:$0x5] =	wrdreg $0x9  }
0xb2: {  	_ =	task.clear_ibuf [dreg:s7], $0x6FFFF;
	_ =	strace $0x9000004C  }
0xb3: {  	s29 =	simm.s32 $0x9;
	_ =	strace $0x8000004E  }
0xb4: {  	_ =	swait.ge [sflag:s29], $0x1  }
0xb5: {  	[sflag:s29] =	ssyncadd.s32 $0xFFFFFFFF  }
0xb6: {  	_ =	strace $0x9000004E  }
0xb7: {  	_ =	sfence  }
0xb8: {  	s30 =	sld [smem:$0x0];
	_ =	sdelay $0x2  }
0xb9: {  	s31 =	sshll.u32 s1, $0xD;
	s1 =	sshrl.u32 s1, $0x2  }
0xba: {  	s3 =	sand.u32 $0x4000, s31;
	s1 =	sadd.s32 s1, s30  }
0xbb: {  	s0 =	sor.u32 s3, s0;
	s1 =	sshll.u32 s1, $0x11  }
0xbc: {  	s0 =	sor.u32 s1, s0  }
0xbd: {  	s0 =	sadd.s32 $0x8F2B, s0  }
0xbe: {  	[sflag:s0] =	ssyncadd.remote.s32 $0x1  }
0xbf: {  	_ =	sfence.sel $0xFFFF  }
0xc0: {  	[dreg:$0x0] =	wrdreg $0xFFFFFFFF;
	(pc) =	sbr.abs _section_cstart, $3  }
0xc1: {  	[dreg:$0x1] =	wrdreg $0xFFFFFFFF  }
0xc2: {  	_ =	task.clear_ibuf [dreg:s7], $0x2FFFF;
	_ =	strace $0x9FFFFFFF  }
0xc3: {  	(tm) =	ssettm $0x7FFFFFFF  }
tec
execute0_lowered:
.L_overlay_start_1:
0x0: {  	(tag) =	ssettag $0x1  }
0x1: {  	s1 =	rddreg [dreg:$0x0]  }
0x2: {  	s0 =	rddreg [dreg:$0x1]  }
0x3: {  	s3 =	rddreg [dreg:$0x2];
	s4 =	simm.s32 $0x0;
	s13 =	stileid.u32  }
0x4: {  	s2 =	srdreg.scid;
	s28 =	simm.s32 $0x7;
	s29 =	simm.s32 $0x18200  }
0x5: {  	s30 =	simm.s32 $0x1;
	s31 =	simm.s32 $0x6;
	[smem:$0x7FF] =	sst s4  }
0x6: {  	s7 =	smul.u32 $0x2800, s13;
	s2 =	sand.u32 $0x1, s2;
	s5 =	sadd.s32 $0x2000, s0  }
0x7: {  	s6 =	sadd.s32 $0xBE00, s0;
	s10 =	smul.u32 $0x50000, s13;
	s11 =	sshll.u32 s13, $0x1  }
0x8: {  	s20 =	sshll.u32 s13, $0x6;
	s22 =	sshll.u32 s13, $0x5;
	_ =	strace $0x8000004D  }
0x9: {  	s8 =	smul.u32 $0x28000, s2;
	s17 =	ssub.s32 $0x2, s2;
	s19 =	sor.u32 s2, s11  }
0xa: {  	s2 =	sshll.u32 s2, $0x4;
	s9 =	sadd.s32 s7, s0;
	s18 =	sshrl.u32 s17, $0x1  }
0xb: {  	s10 =	sshrl.u32 s10, $0x2;
	s21 =	sshll.u32 s19, $0x4;
	s11 =	sor.u32 s2, s22  }
0xc: {  	s22 =	simm.s32 $0x14100;
	s7 =	sadd.s32 s7, s8;
	s12 =	sadd.s32 s10, s3  }
0xd: {  	s9 =	sadd.s32 $0x15C00, s9;
	s8 =	sor.u32 $0x20, s19;
	s10 =	sand.u32 $0x70, s21  }
0xe: {  	s2 =	sand.u32 $0x70, s11;
	s24 =	sand.u32 $0x180, s11;
	s21 =	simm.s32 $0x14080  }
0xf: {  	s0 =	sadd.s32 s7, s0;
	s7 =	ssub.s32 s17, s18;
	[dreg:$0x4] =	wrdreg s9  }
0x10: {  	s18 =	sor.u32 $0x1C09, s20;
	[dreg:$0x6] =	wrdreg s8;
	s8 =	sshll.u32 s8, $0x4  }
0x11: {  	s26 =	sadd.s32 s24, s5;
	s13 =	sshrl.u32 s12, $0x3;
	s20 =	simm.s32 $0x14000  }
0x12: {  	s9 =	simm.s32 $0xA;
	s12 =	simm.s32 $0x0;
	s8 =	sand.u32 $0x380, s8  }
0x13: {  	s0 =	sadd.s32 $0x3DC00, s0;
	s7 =	smax.u32 s7, $0x1;
	[dreg:$0x5] =	wrdreg s18  }
0x14: {  	s16 =	sadd.s32 s2, s26;
	s26 =	simm.s32 $0x14200;
	[dreg:$0x9] =	wrdreg s13  }
.Ltmp0:
0x15: {  	[dreg:$0x7] =	wrdreg s0;
	s23 =	sadd.s32 s8, s5;
	(pc) =	sbr.rel .LBB2_1-.Ltmp0, $4  }
0x16: {  	[dreg:$0x8] =	wrdreg s7;
	s25 =	sadd.s32 s8, s6;
	s0 =	sadd.s32 s24, s6  }
0x17: {  	s24 =	simm.s32 $0x5;
	s7 =	simm.s32 $0x3;
	s14 =	sadd.s32 s2, s23  }
0x18: {  	s15 =	sadd.s32 s2, s25;
	s17 =	sadd.s32 s2, s0;
	s23 =	simm.s32 $0x14180  }
0x19: {  	s25 =	simm.s32 $0x80;
	s0 =	simm.s32 $0x2;
	s2 =	simm.s32 $0x8  }
.LBB2_8:
0x1a: {  	[bflag:$0x0] =	sbarrier.arrive $0xFFFF  }
0x1b: {  	s18 =	rddreg [dreg:$0x5]  }
0x1c: {  	s8 =	rddreg [dreg:$0x7]  }
0x1d: {  	s19 =	simm.s32 $0x9;
	s13 =	rddreg [dreg:$0x9]  }
0x1e: {  	[hbm:s8], [sflag:s18] =	dma.local [spmem:s13], $0x2800  }
0x1f: {  	_ =	swait.ge [sflag:s19], $0x2800  }
0x20: {  	s12 =	sadd.s32 $0x1, s12;
	[sflag:s19] =	ssyncset.done $0x0;
	s19 =	rddreg [dreg:$0x8]  }
0x21: {  	p0 =	sne.s32 s12, s19  }
.Ltmp1:
0x22: {  	_ = 	snop;
	(pc) =	sbr.rel @!p0 .LBB2_9-.Ltmp1, $3  }
0x23: {  	_ =	sdelay $0x1  }
0x24: {  	s19 =	simm.s32 $0x9  }
0x25: {  	[sflag:s19] =	ssyncadd.s32 $0xFFFFD800  }
.LBB2_1:
0x26: {  	s19 =	simm.s32 $0x9;
	s8 =	rddreg [dreg:$0x4]  }
0x27: {  	[spmem:s13], [sflag:s18] =	dma.local [hbm:s8], $0x2800  }
.Ltmp2:
0x28: {  	_ =	swait.ge [sflag:s19], $0x2800;
	(pc) =	sbr.rel .LBB2_2-.Ltmp2, $4  }
0x29: {  	[sflag:s19] =	ssyncset.done $0x0  }
0x2a: {  	[sflag:s19] =	ssyncadd.s32 $0xFFFFD800  }
0x2b: {  	[bflag:$0x0] =	sbarrier.arrive $0xFFFF  }
0x2c: {  	s8 =	simm.s32 $0x0;
	s13 =	rddreg [dreg:$0x6]  }
.LBB2_3:
0x2d: {  	s18 =	sadd.s32 s8, s16  }
0x2e: {  	[tilespmem:s20], [sflag:$0x5] =	stream.linear.gather [hbm4b:s18+s4], $0x80, $0x38;
	[tilespmem:$0x1C200] =	vst v63  }
0x2f: {  	s19 =	sadd.s32 s8, s17  }
0x30: {  	[tilespmem:s21], [sflag:$0x6] =	stream.linear.gather [hbm4b:s19+s4], $0x80, $0x38;
	[tilespmem:$0x1C200] =	vst v63  }
0x31: {  	s19 =	sadd.s32 s8, s14  }
0x32: {  	[tilespmem:s22], [sflag:$0x7] =	stream.linear.gather [hbm4b:s19+s4], $0x80, $0x38;
	[tilespmem:$0x1C200] =	vst v63  }
0x33: {  	s19 =	sadd.s32 s8, s15  }
0x34: {  	[tilespmem:s23], [sflag:$0x8] =	stream.linear.gather [hbm4b:s19+s4], $0x80, $0x38;
	[tilespmem:$0x1C200] =	vst v63  }
0x35: {  	_ =	swait.ge [sflag:s24], $0x80  }
0x36: {  	[sflag:s24] =	ssyncset.done $0x0  }
0x37: {  	[sflag:s24] =	ssyncadd.s32 $0xFFFFFF80  }
0x38: {  	[tilespmem:s26], [sflag:$0x1] =	stream.indirect.gather [hbm4b:s1+s25], $0x80, s20, s25, $0xb8;
	[tilespmem:$0x1C200] =	vst v63  }
0x39: {  	_ =	swait.ge [sflag:s28], $0x80  }
0x3a: {  	[sflag:s28] =	ssyncset.done $0x0  }
0x3b: {  	[sflag:s28] =	ssyncadd.s32 $0xFFFFFF80  }
0x3c: {  	[tilespmem:s29], [sflag:$0x2] =	stream.indirect.gather [hbm4b:s1+s25], $0x80, s22, s25, $0xb8;
	[tilespmem:$0x1C200] =	vst v63  }
0x3d: {  	_ =	swait.ge [sflag:s30], $0x4000  }
0x3e: {  	[sflag:s30] =	ssyncset.done $0x0  }
0x3f: {  	[sflag:s30] =	ssyncadd.s32 $0xFFFFC000  }
0x40: {  	_ =	swait.ge [sflag:s31], $0x80  }
0x41: {  	[sflag:s31] =	ssyncset.done $0x0  }
0x42: {  	[sflag:s31] =	ssyncadd.s32 $0xFFFFFF80  }
0x43: {  	[spmem:s3] =	stream.indirect.scatter.add.f32 [tilespmem:s26], [sflag:$0x3], $0x80, s21, s25, $0xb8;
	[tilespmem:$0x1C200] =	vst v63  }
0x44: {  	_ =	swait.ge [sflag:s0], $0x4000  }
0x45: {  	[sflag:s0] =	ssyncset.done $0x0  }
0x46: {  	[sflag:s0] =	ssyncadd.s32 $0xFFFFC000  }
0x47: {  	_ =	swait.ge [sflag:s2], $0x80  }
0x48: {  	[sflag:s2] =	ssyncset.done $0x0  }
0x49: {  	[sflag:s2] =	ssyncadd.s32 $0xFFFFFF80  }
0x4a: {  	[spmem:s3] =	stream.indirect.scatter.add.f32 [tilespmem:s29], [sflag:$0x4], $0x80, s23, s25, $0xb8;
	[tilespmem:$0x1C200] =	vst v63  }
0x4b: {  	_ =	swait.ge [sflag:s7], $0x4000  }
0x4c: {  	[sflag:s7] =	ssyncset.done $0x0  }
0x4d: {  	s18 =	simm.s32 $0x4;
	[sflag:s7] =	ssyncadd.s32 $0xFFFFC000  }
.LBB2_6:
0x4e: {  	_ =	swait.ge [sflag:s18], $0x4000  }
0x4f: {  	[sflag:s18] =	ssyncset.done $0x0  }
0x50: {  	[sflag:s18] =	ssyncadd.s32 $0xFFFFC000  }
.LBB2_7:
0x51: {  	s8 =	sadd.s32 $0x400, s8  }
0x52: {  	p0 =	sne.s32 s8, $0xA000  }
.Ltmp3:
0x53: {  	_ = 	snop;
	(pc) =	sbr.rel @!p0 .LBB2_8-.Ltmp3, $2  }
0x54: {  	_ =	sdelay $0x2  }
0x55: {  	s13 =	sadd.s32 $0x40, s13  }
.LBB2_2:
0x56: {  	p0 =	sgt.u32 s13, $0x9C3  }
.Ltmp4:
0x57: {  	_ = 	snop;
	(pc) =	sbr.rel @!p0 .LBB2_3-.Ltmp4, $1  }
0x58: {  	_ =	sdelay $0x3  }
0x59: {  	s18 =	sadd.s32 $0xFFFFF63C, s13  }
0x5a: {  	p0 =	sgt.u32 s18, $0x1F  }
.Ltmp5:
0x5b: {  	_ = 	snop;
	(pc) =	sbr.rel @p0 .LBB2_7-.Ltmp5, $1  }
0x5c: {  	_ =	sdelay $0x3  }
0x5d: {  	s18 =	sadd.s32 s8, s11  }
0x5e: {  	s18 =	sand.u32 $0x9D80, s18  }
0x5f: {  	s18 =	sor.u32 s10, s18  }
0x60: {  	s19 =	sadd.s32 s5, s18  }
0x61: {  	[tilespmem:s20], [sflag:$0xA] =	stream.linear.gather [hbm4b:s19+s4], $0x80, $0x38;
	[tilespmem:$0x1C200] =	vst v63  }
0x62: {  	_ =	swait.ge [sflag:s9], $0x80  }
0x63: {  	[sflag:s9] =	ssyncset.done $0x0  }
0x64: {  	s18 =	sadd.s32 s6, s18;
	[sflag:s9] =	ssyncadd.s32 $0xFFFFFF80  }
0x65: {  	[tilespmem:s21], [sflag:$0xA] =	stream.linear.gather [hbm4b:s18+s4], $0x80, $0x38;
	[tilespmem:$0x1C200] =	vst v63  }
0x66: {  	_ =	swait.ge [sflag:s9], $0x80  }
0x67: {  	[sflag:s9] =	ssyncset.done $0x0  }
0x68: {  	[sflag:s9] =	ssyncadd.s32 $0xFFFFFF80  }
0x69: {  	[tilespmem:s26], [sflag:$0xA] =	stream.indirect.gather [hbm4b:s1+s25], $0x80, s20, s25, $0xb8;
	[tilespmem:$0x1C200] =	vst v63  }
.Ltmp6:
0x6a: {  	_ = 	snop;
	(pc) =	sbr.rel .LBB2_6-.Ltmp6, $4  }
0x6b: {  	_ =	swait.ge [sflag:s9], $0x4000  }
0x6c: {  	[sflag:s9] =	ssyncset.done $0x0  }
0x6d: {  	s18 =	simm.s32 $0x9;
	[sflag:s9] =	ssyncadd.s32 $0xFFFFC000  }
0x6e: {  	[spmem:s3] =	stream.indirect.scatter.add.f32 [tilespmem:s26], [sflag:$0x9], $0x80, s21, s25, $0xb8;
	[tilespmem:$0x1C200] =	vst v63  }
.LBB2_9:
0x6f: {  	_ =	sfence.sel $0x180000  }
0x70: {  	[bflag:$0x0] =	sbarrier.arrive $0xFFFF  }
0x71: {  	_ =	strace $0x9000004D  }
0x72: {  	s0 =	stileid.u32;
	[bflag:$0x2] =	sbarrier.arrive $0xFFFF  }
0x73: {  	p0 =	sne.s32 s0, $0x0;
	s0 =	rddreg [dreg:$0x3]  }
0x74: {  	s0 =	sadd.s32 @!p0 $0x100000, s0  }
0x75: {  	[sflag:s0] =	ssyncadd.tile.s32 @!p0 $0x1;
	_ =	shalt  }
.Lfunc_end2:
_tile_overlayer_lowered:
.L_overlay_start_2:
0x76: {  	(tag) =	ssettag $0x2  }
0x77: {  	s0 =	rddreg [dreg:$0x0];
	s2 =	stileid.u32  }
0x78: {  	s1 =	rddreg [dreg:$0x1];
	p0 =	sne.s32 s2, $0x0  }
0x79: {  	s3 =	rddreg [dreg:$0x2];
	[bflag:$0x3] =	sbarrier.arrive $0xFFFF;
	s2 =	simm.s32 @!p0 $0x1C09  }
0x7a: {  	[timem:s3], [sflag:s2] =	dma.local @!p0 [hbm:s0], s1  }
0x7b: {  	s0 =	simm.s32 @!p0 $0x9  }
0x7c: {  	_ =	swait.ge @!p0 [sflag:s0], s1  }
0x7d: {  	s1 =	ssub.s32 @!p0 $0x0, s1;
	[sflag:s0] =	ssyncset.done @!p0 $0x0  }
0x7e: {  	[sflag:s0] =	ssyncadd.s32 @!p0 s1  }
0x7f: {  	[bflag:$0x3] =	sbarrier.arrive $0xFFFF  }
0x80: {  	_ =	shalt  }

// kernel: kernel.8.cloned.1.call-start
scs
__scs_entry_jumppad:
0x0: {  	(pc) =	sbr.rel $0x88, $3  }
0x1: {  	(tag) =	ssettag $0x0;
	lr =	simm.s32 $0x1  }
0x2: {  	[smem:$0x3F9B] =	sst lr;
	_ =	strace $0xD0000000  }
0x3: {  	_ = 	snop  }
0x4: {  	_ = 	snop  }
0x5: {  	_ = 	snop  }
0x6: {  	_ = 	snop  }
0x7: {  	_ = 	snop  }
__scs_overlays_trampoline_lowered:
0x8: {  	[smem:$0x3FAA] =	sst s0  }
0x9: {  	[smem:$0x3FAB] =	sst s1  }
0xa: {  	[smem:$0x3FAC] =	sst s2  }
0xb: {  	[smem:$0x3FAD] =	sst s3  }
0xc: {  	[smem:$0x3FAE] =	sst s4  }
0xd: {  	[smem:$0x3FAF] =	sst s5  }
0xe: {  	[smem:$0x3FB0] =	sst s6  }
0xf: {  	[smem:$0x3FB1] =	sst s7  }
0x10: {  	[smem:$0x3FB2] =	sst s8  }
0x11: {  	[smem:$0x3FB3] =	sst s9;
	s0 =	simm.s32 @!p0 $0x0  }
0x12: {  	s1 =	sld [smem:$0x3F99];
	s0 =	simm.s32 @p0 $0x1  }
0x13: {  	[smem:$0x3FB4] =	sst s0;
	s0 =	simm.s32 @!p1 $0x0  }
0x14: {  	s2 =	sld [smem:$0x3F98];
	s0 =	simm.s32 @p1 $0x1  }
0x15: {  	[smem:$0x3FB5] =	sst s0;
	s0 =	simm.s32 @!p2 $0x0  }
0x16: {  	s3 =	sld [smem:$0x3FDB];
	s0 =	simm.s32 @p2 $0x1  }
0x17: {  	s4 =	simm.s32 $0x1BF5;
	[smem:$0x3FB7] =	sst s0  }
0x18: {  	s0 =	sld [smem:$0x3F9A];
	_ =	swait.ge [sflag:s4], $0x0  }
0x19: {  	s7 =	sld [smem:$0x3F9B]  }
0x1a: {  	s8 =	sadd.s32 $0xFFFFE003, lr  }
0x1b: {  	s9 =	sadd.s32 $0xFFFFFEF7, lr;
	s5 =	simm.s32 $0xFFFFFFFF;
	p2 =	slt.u32 s8, $0xFFFFF086  }
0x1c: {  	p1 =	slt.u32 s9, $0xF7A;
	s5 =	simm.s32 @!p2 $0x0  }
0x1d: {  	s5 =	simm.s32 @p1 $0x1;
	p0 =	seq.s32 s7, s2  }
0x1e: {  	s7 =	smul.u32 @!p0 $0xF7A, s2;
	p2 =	seq.s32 @!p0 s5, $0x0  }
0x1f: {  	s9 =	smul.u32 $0xF7A, s1;
	s8 =	simm.s32 @!p0 $0x1BF5;
	p2 =	por !p2, p0  }
0x20: {  	[sflag:s8] =	ssyncset.s32 @!p0 $0xFFFFF086;
	s6 =	sadd.s32 @!p0 s3, s7;
	s7 =	simm.s32 @!p0 $0x108  }
0x21: {  	s3 =	sadd.s32 s3, s9;
	s6 =	sadd.s32 @!p0 $0x88, s6;
	s7 =	simm.s32 @p2 $0x1082  }
0x22: {  	[simem:s7], [sflag:s8] =	dma.local @!p0 [hbm:s6], $0xF7A  }
0x23: {  	s9 =	sor.u32 $0xD0000000, s2;
	s6 =	simm.s32 $0x108;
	_ =	swait.ge @!p0 [sflag:s8], $0x0  }
0x24: {  	s3 =	sadd.s32 $0x88, s3;
	s6 =	simm.s32 @!p1 $0x1082;
	[sflag:s4] =	ssyncset.s32 $0xFFFFF086  }
0x25: {  	[simem:s6], [sflag:s4] =	dma.local [hbm:s3], $0xF7A  }
0x26: {  	[smem:$0x3F9B] =	sst s1;
	(tag) =	ssettag s2;
	_ =	strace s9  }
0x27: {  	s1 =	sld [smem:$0x3FAB]  }
0x28: {  	s2 =	sld [smem:$0x3FAC]  }
0x29: {  	s4 =	sld [smem:$0x3FAE]  }
0x2a: {  	p0 =	seq.s32 s5, $0x0;
	s5 =	sld [smem:$0x3FAF]  }
0x2b: {  	s6 =	sld [smem:$0x3FB0]  }
0x2c: {  	s7 =	sld [smem:$0x3FB1]  }
0x2d: {  	s3 =	simm.s32 $0x108;
	s8 =	sld [smem:$0x3FB2]  }
0x2e: {  	s3 =	simm.s32 @!p0 $0x1082;
	s9 =	sld [smem:$0x3FB3]  }
0x2f: {  	lr =	sadd.s32 s0, s3;
	s0 =	sld [smem:$0x3FAA]  }
0x30: {  	s3 =	sld [smem:$0x3FAD]  }
0x31: {  	[smem:$0x3FB6] =	sst s10  }
0x32: {  	s10 =	sld [smem:$0x3FB4];
	_ =	sdelay $0x3  }
0x33: {  	p0 =	seq.s32 s10, $0x1;
	s10 =	sld [smem:$0x3FB6];
	_ =	sdelay $0x3  }
0x34: {  	[smem:$0x3FB6] =	sst s10  }
0x35: {  	s10 =	sld [smem:$0x3FB5];
	_ =	sdelay $0x3  }
0x36: {  	p1 =	seq.s32 s10, $0x1;
	s10 =	sld [smem:$0x3FB6];
	_ =	sdelay $0x3  }
0x37: {  	[smem:$0x3FB6] =	sst s10  }
0x38: {  	s10 =	sld [smem:$0x3FB7]  }
0x39: {  	_ = 	snop;
	(pc) =	sbr.ind lr, $3  }
0x3a: {  	_ = 	snop  }
0x3b: {  	_ = 	snop  }
0x3c: {  	p2 =	seq.s32 s10, $0x1;
	s10 =	sld [smem:$0x3FB6]  }
0x3d: {  	_ =	shalt  }
0x3e: {  	_ =	shalt  }
0x3f: {  	_ =	shalt  }
0x40: {  	_ =	shalt  }
0x41: {  	_ =	shalt  }
0x42: {  	_ =	shalt  }
0x43: {  	_ =	shalt  }
0x44: {  	_ =	shalt  }
0x45: {  	_ =	shalt  }
0x46: {  	_ =	shalt  }
0x47: {  	_ =	shalt  }
0x48: {  	_ =	shalt  }
0x49: {  	_ =	shalt  }
0x4a: {  	_ =	shalt  }
0x4b: {  	_ =	shalt  }
0x4c: {  	_ =	shalt  }
0x4d: {  	_ =	shalt  }
0x4e: {  	_ =	shalt  }
0x4f: {  	_ =	shalt  }
0x50: {  	_ =	shalt  }
0x51: {  	_ =	shalt  }
0x52: {  	_ =	shalt  }
0x53: {  	_ =	shalt  }
0x54: {  	_ =	shalt  }
0x55: {  	_ =	shalt  }
0x56: {  	_ =	shalt  }
0x57: {  	_ =	shalt  }
0x58: {  	_ =	shalt  }
0x59: {  	_ =	shalt  }
0x5a: {  	_ =	shalt  }
0x5b: {  	_ =	shalt  }
0x5c: {  	_ =	shalt  }
0x5d: {  	_ =	shalt  }
0x5e: {  	_ =	shalt  }
0x5f: {  	_ =	shalt  }
0x60: {  	_ =	shalt  }
0x61: {  	_ =	shalt  }
0x62: {  	_ =	shalt  }
0x63: {  	_ =	shalt  }
0x64: {  	_ =	shalt  }
0x65: {  	_ =	shalt  }
0x66: {  	_ =	shalt  }
0x67: {  	_ =	shalt  }
0x68: {  	_ =	shalt  }
0x69: {  	_ =	shalt  }
0x6a: {  	_ =	shalt  }
0x6b: {  	_ =	shalt  }
0x6c: {  	_ =	shalt  }
0x6d: {  	_ =	shalt  }
0x6e: {  	_ =	shalt  }
0x6f: {  	_ =	shalt  }
0x70: {  	_ =	shalt  }
0x71: {  	_ =	shalt  }
0x72: {  	_ =	shalt  }
0x73: {  	_ =	shalt  }
0x74: {  	_ =	shalt  }
0x75: {  	_ =	shalt  }
0x76: {  	_ =	shalt  }
0x77: {  	_ =	shalt  }
0x78: {  	_ =	shalt  }
0x79: {  	_ =	shalt  }
0x7a: {  	_ =	shalt  }
0x7b: {  	_ =	shalt  }
0x7c: {  	_ =	shalt  }
0x7d: {  	_ =	shalt  }
0x7e: {  	_ =	shalt  }
0x7f: {  	_ =	shalt  }
0x80: {  	_ =	shalt  }
0x81: {  	_ =	shalt  }
0x82: {  	_ =	shalt  }
0x83: {  	_ =	shalt  }
0x84: {  	_ =	shalt  }
0x85: {  	_ =	shalt  }
0x86: {  	_ =	shalt  }
0x87: {  	_ =	shalt  }
.Lfunc_end0:
.L_simem_size_0:
called_computation_lowered:
.L_overlay_start_0:
0x88: {  	s2 =	sld [smem:$0x3FD9]  }
0x89: {  	s3 =	sld [smem:$0x3FFE];
	_ =	sdelay $0x1  }
0x8a: {  	s1 =	srdreg.scid  }
0x8b: {  	s0 =	sand.u32 $0x1, s1  }
0x8c: {  	s17 =	sshll.u32 s0, $0xA;
	s2 =	sadd.s32 s3, s2  }
0x8d: {  	s2 =	sadd.s32 s2, s17  }
0x8e: {  	[smem:$0x3FC2] =	sst s2  }
0x8f: {  	_ = 	snop  }
0x90: {  	s2 =	sld [smem:$0x3FD0];
	(tm) =	ssettm $0x1  }
0x91: {  	s18 =	sld [smem:$0x3FFB];
	_ =	sdelay $0x3  }
0x92: {  	_ =	strace s18  }
0x93: {  	s3 =	sld [smem:$0x3FFC];
	_ =	sdelay $0x3  }
0x94: {  	_ =	strace s3  }
0x95: {  	s3 =	sld [smem:$0x3FFD];
	_ =	sdelay $0x3  }
0x96: {  	_ =	strace s3  }
0x97: {  	_ =	strace $0x8FFFFFFF  }
0x98: {  	s19 =	sld [smem:$0x3FDB];
	_ =	sdelay $0x1  }
0x99: {  	s4 =	simm.s32 $_scs_section_size  }
0x9a: {  	s5 =	simm.s32 $_size__tile_overlayer_lowered;
	s6 =	simm.s32 $_tile_overlayer_lowered  }
0x9b: {  	s22 =	simm.s32 $0x1BFF;
	s21 =	sshll.u32 s6, $0x1;
	s3 =	sadd.s32 s4, s19  }
0x9c: {  	s7 =	simm.s32 $0x0;
	s20 =	sshll.u32 s5, $0x1;
	s5 =	sadd.s32 s21, s3  }
0x9d: {  	[timem:s7], [sflag:s22] =	dma.local [hbm:s5], s20  }
0x9e: {  	_ =	swait.ge [sflag:s22], s20  }
0x9f: {  	s4 =	ssub.s32 $0x0, s20;
	[sflag:s22] =	ssyncset.done $0x0  }
0xa0: {  	[sflag:s22] =	ssyncadd.s32 s4;
	_ =	sdelay $0x1  }
0xa1: {  	s23 =	simm.s32 $0x1B8B  }
0xa2: {  	_ =	swait.ge [sflag:s23], $0x1  }
0xa3: {  	[sflag:s23] =	ssyncset.done $0x0  }
0xa4: {  	s25 =	simm.s32 $0x1B8E;
	s24 =	sld [smem:$0x3FFE];
	[sflag:s23] =	ssyncadd.s32 $0xFFFFFFFF  }
0xa5: {  	s26 =	simm.s32 $execute0_lowered;
	[smem:$0x3FD2] =	sst s25  }
0xa6: {  	s5 =	sshll.u32 s26, $0x1;
	_ =	strace $0x80000046;
	[dreg:$0x1] =	wrdreg $0xFFFFFFFF  }
0xa7: {  	s28 =	simm.s32 $_size_execute0_lowered;
	s3 =	sadd.s32 s3, s5;
	[dreg:$0x0] =	wrdreg $0x0  }
0xa8: {  	s5 =	sshll.u32 s28, $0x1;
	[dreg:$0x2] =	wrdreg s3  }
0xa9: {  	[dreg:$0x3] =	wrdreg s5  }
0xaa: {  	[dreg:$0x4] =	wrdreg $0xC0  }
0xab: {  	_ =	task [dreg:s7], $0x5FFFF  }
0xac: {  	[dreg:$0x1] =	wrdreg $0xFFFFFFFF  }
0xad: {  	[dreg:$0x0] =	wrdreg $0x60  }
0xae: {  	[dreg:$0x2] =	wrdreg s24  }
0xaf: {  	[dreg:$0x3] =	wrdreg s2  }
0xb0: {  	[dreg:$0x4] =	wrdreg $0x0  }
0xb1: {  	[dreg:$0x5] =	wrdreg $0x9  }
0xb2: {  	_ =	task.clear_ibuf [dreg:s7], $0x6FFFF;
	_ =	strace $0x90000046  }
0xb3: {  	s29 =	simm.s32 $0x9;
	_ =	strace $0x80000048  }
0xb4: {  	_ =	swait.ge [sflag:s29], $0x1  }
0xb5: {  	[sflag:s29] =	ssyncadd.s32 $0xFFFFFFFF  }
0xb6: {  	_ =	strace $0x90000048  }
0xb7: {  	_ =	sfence  }
0xb8: {  	s30 =	sld [smem:$0x0];
	_ =	sdelay $0x2  }
0xb9: {  	s31 =	sshll.u32 s1, $0xD;
	s1 =	sshrl.u32 s1, $0x2  }
0xba: {  	s3 =	sand.u32 $0x4000, s31;
	s1 =	sadd.s32 s1, s30  }
0xbb: {  	s0 =	sor.u32 s3, s0;
	s1 =	sshll.u32 s1, $0x11  }
0xbc: {  	s0 =	sor.u32 s1, s0  }
0xbd: {  	s0 =	sadd.s32 $0x8F2B, s0  }
0xbe: {  	[sflag:s0] =	ssyncadd.remote.s32 $0x1  }
0xbf: {  	_ =	sfence.sel $0xFFFF  }
0xc0: {  	[dreg:$0x0] =	wrdreg $0xFFFFFFFF;
	(pc) =	sbr.abs _section_cstart, $3  }
0xc1: {  	[dreg:$0x1] =	wrdreg $0xFFFFFFFF  }
0xc2: {  	_ =	task.clear_ibuf [dreg:s7], $0x2FFFF;
	_ =	strace $0x9FFFFFFF  }
0xc3: {  	(tm) =	ssettm $0x7FFFFFFF  }
tec
execute0_lowered:
.L_overlay_start_1:
0x0: {  	(tag) =	ssettag $0x1  }
0x1: {  	s5 =	rddreg [dreg:$0x0]  }
0x2: {  	s2 =	rddreg [dreg:$0x1]  }
0x3: {  	s3 =	rddreg [dreg:$0x2]  }
0x4: {  	s0 =	rddreg [dreg:$0x3];
	s4 =	simm.s32 $0x0;
	s1 =	stileid.u32  }
0x5: {  	s6 =	srdreg.scid;
	s14 =	simm.s32 $0x14000;
	s15 =	simm.s32 $0x14080  }
0x6: {  	s16 =	simm.s32 $0x3;
	s17 =	simm.s32 $0x80;
	s18 =	simm.s32 $0x4  }
0x7: {  	s19 =	simm.s32 $0x1;
	s20 =	simm.s32 $0x2;
	s21 =	simm.s32 $0x0  }
0x8: {  	[smem:$0x7FF] =	sst s4;
	s7 =	smul.u32 $0x2800, s1;
	s6 =	sand.u32 $0x1, s6  }
0x9: {  	s9 =	sadd.s32 $0xBE00, s5;
	s11 =	smul.u32 $0x50000, s1;
	s29 =	sshll.u32 s1, $0x5  }
0xa: {  	s30 =	sshll.u32 s1, $0x6;
	p0 =	sgt.u32 s1, $0x1;
	_ =	strace $0x80000047  }
0xb: {  	s8 =	smul.u32 $0x28000, s6;
	s10 =	ssub.s32 $0x2, s6;
	s6 =	sshll.u32 s6, $0x4  }
0xc: {  	s12 =	sadd.s32 s7, s5;
	s26 =	sshrl.u32 s10, $0x1;
	s28 =	sshrl.u32 s11, $0x2  }
0xd: {  	s13 =	sor.u32 s6, s29;
	s6 =	sor.u32 $0x1C05, s30;
	s7 =	sadd.s32 s7, s8  }
0xe: {  	s8 =	ssub.s32 s10, s26;
	s11 =	sadd.s32 s28, s3;
	s31 =	sand.u32 $0x70, s13  }
0xf: {  	s10 =	sand.u32 $0x180, s29;
	s7 =	sadd.s32 s7, s5;
	s5 =	sadd.s32 $0x15C00, s12  }
0x10: {  	s13 =	sadd.s32 s9, s31;
	s10 =	sadd.s32 s10, s9;
	s8 =	smax.u32 s8, $0x1  }
0x11: {  	s11 =	sshrl.u32 s11, $0x3;
	s12 =	simm.s32 $0x5;
	s7 =	sadd.s32 $0x3DC00, s7  }
0x12: {  	s9 =	sadd.s32 $0x9C00, s13;
	s10 =	sadd.s32 s31, s10;
	s13 =	simm.s32 $0x14100  }
.LBB2_1:
0x13: {  	[spmem:s11], [sflag:s6] =	dma.local [hbm:s5], $0x2800  }
0x14: {  	_ =	swait.ge [sflag:s12], $0x2800  }
0x15: {  	[sflag:s12] =	ssyncset.done $0x0  }
0x16: {  	[sflag:s12] =	ssyncadd.s32 $0xFFFFD800  }
0x17: {  	[tilespmem:s13], [sflag:$0x5] =	stream.linear.gather [hbm4b:s2+s4], $0x4000, $0x38;
	[tilespmem:$0x18100] =	vst v63  }
0x18: {  	_ =	swait.ge [sflag:s12], $0x4000  }
0x19: {  	[sflag:s12] =	ssyncset.done $0x0  }
0x1a: {  	[sflag:s12] =	ssyncadd.s32 $0xFFFFC000  }
0x1b: {  	s22 =	sadd.s32 $0x0, s10;
	[bflag:$0x0] =	sbarrier.arrive $0xFFFF  }
0x1c: {  	[tilespmem:s14], [sflag:$0x3] =	stream.linear.gather [hbm4b:s22+s4], $0x80, $0x38;
	[tilespmem:$0x18100] =	vst v63  }
0x1d: {  	s22 =	sadd.s32 $0x200, s22  }
0x1e: {  	[tilespmem:s15], [sflag:$0x4] =	stream.linear.gather [hbm4b:s22+s4], $0x80, $0x38;
	[tilespmem:$0x18100] =	vst v63  }
0x1f: {  	_ =	swait.ge [sflag:s16], $0x80  }
0x20: {  	[sflag:s16] =	ssyncset.done $0x0  }
0x21: {  	[sflag:s16] =	ssyncadd.s32 $0xFFFFFF80  }
0x22: {  	[spmem:s3] =	stream.indirect.scatter.add.f32 [tilespmem:s13], [sflag:$0x1], $0x80, s14, s17, $0xb8;
	[tilespmem:$0x18100] =	vst v63  }
0x23: {  	_ =	swait.ge [sflag:s18], $0x80  }
0x24: {  	[sflag:s18] =	ssyncset.done $0x0  }
0x25: {  	[sflag:s18] =	ssyncadd.s32 $0xFFFFFF80  }
0x26: {  	[spmem:s3] =	stream.indirect.scatter.add.f32 [tilespmem:s13], [sflag:$0x2], $0x80, s15, s17, $0xb8;
	[tilespmem:$0x18100] =	vst v63  }
0x27: {  	_ =	swait.ge [sflag:s19], $0x4000  }
0x28: {  	[sflag:s19] =	ssyncset.done $0x0  }
0x29: {  	[sflag:s19] =	ssyncadd.s32 $0xFFFFC000  }
0x2a: {  	_ =	swait.ge [sflag:s20], $0x4000  }
0x2b: {  	s23 =	simm.s32 $0x800;
	s22 =	simm.s32 $0x400;
	[sflag:s20] =	ssyncset.done $0x0  }
.LBB2_2:
0x2c: {  	s24 =	sadd.s32 s22, s10  }
0x2d: {  	[sflag:s20] =	ssyncadd.s32 $0xFFFFC000;
	s22 =	smov.u32 s23;
	s25 =	sadd.s32 $0x400, s23  }
0x2e: {  	[tilespmem:s14], [sflag:$0x3] =	stream.linear.gather [hbm4b:s24+s4], $0x80, $0x38;
	[tilespmem:$0x18100] =	vst v63  }
0x2f: {  	p1 =	sne.s32 s23, $0x9800;
	s23 =	sadd.s32 $0x200, s24  }
0x30: {  	[tilespmem:s15], [sflag:$0x4] =	stream.linear.gather [hbm4b:s23+s4], $0x80, $0x38;
	[tilespmem:$0x18100] =	vst v63  }
0x31: {  	_ =	swait.ge [sflag:s16], $0x80  }
0x32: {  	[sflag:s16] =	ssyncset.done $0x0  }
0x33: {  	[sflag:s16] =	ssyncadd.s32 $0xFFFFFF80  }
0x34: {  	[spmem:s3] =	stream.indirect.scatter.add.f32 [tilespmem:s13], [sflag:$0x1], $0x80, s14, s17, $0xb8;
	[tilespmem:$0x18100] =	vst v63  }
0x35: {  	_ =	swait.ge [sflag:s18], $0x80  }
0x36: {  	[sflag:s18] =	ssyncset.done $0x0  }
0x37: {  	[sflag:s18] =	ssyncadd.s32 $0xFFFFFF80  }
0x38: {  	[spmem:s3] =	stream.indirect.scatter.add.f32 [tilespmem:s13], [sflag:$0x2], $0x80, s15, s17, $0xb8;
	[tilespmem:$0x18100] =	vst v63  }
.Ltmp0:
0x39: {  	_ =	swait.ge [sflag:s19], $0x4000;
	(pc) =	sbr.rel @p1 .LBB2_2-.Ltmp0, $4  }
0x3a: {  	[sflag:s19] =	ssyncset.done $0x0  }
0x3b: {  	[sflag:s19] =	ssyncadd.s32 $0xFFFFC000  }
0x3c: {  	_ =	swait.ge [sflag:s20], $0x4000  }
0x3d: {  	s23 =	smov.u32 s25;
	[sflag:s20] =	ssyncset.done $0x0  }
0x3e: {  	s22 =	sadd.s32 s22, s10;
	[sflag:s20] =	ssyncadd.s32 $0xFFFFC000  }
0x3f: {  	[tilespmem:s14], [sflag:$0x3] =	stream.linear.gather [hbm4b:s22+s4], $0x80, $0x38;
	[tilespmem:$0x18100] =	vst v63  }
0x40: {  	s22 =	sadd.s32 $0x200, s22  }
0x41: {  	[tilespmem:s15], [sflag:$0x4] =	stream.linear.gather [hbm4b:s22+s4], $0x80, $0x38;
	[tilespmem:$0x18100] =	vst v63  }
0x42: {  	_ =	swait.ge [sflag:s16], $0x80  }
0x43: {  	[sflag:s16] =	ssyncset.done $0x0  }
0x44: {  	[sflag:s16] =	ssyncadd.s32 $0xFFFFFF80  }
0x45: {  	[spmem:s3] =	stream.indirect.scatter.add.f32 [tilespmem:s13], [sflag:$0x1], $0x80, s14, s17, $0xb8;
	[tilespmem:$0x18100] =	vst v63  }
0x46: {  	_ =	swait.ge [sflag:s18], $0x80  }
0x47: {  	[sflag:s18] =	ssyncset.done $0x0  }
0x48: {  	[sflag:s18] =	ssyncadd.s32 $0xFFFFFF80  }
0x49: {  	[spmem:s3] =	stream.indirect.scatter.add.f32 [tilespmem:s13], [sflag:$0x2], $0x80, s15, s17, $0xb8;
	[tilespmem:$0x18100] =	vst v63  }
0x4a: {  	_ =	swait.ge [sflag:s19], $0x4000  }
0x4b: {  	[sflag:s19] =	ssyncset.done $0x0  }
0x4c: {  	[sflag:s19] =	ssyncadd.s32 $0xFFFFC000  }
0x4d: {  	_ =	swait.ge [sflag:s20], $0x4000  }
0x4e: {  	[sflag:s20] =	ssyncset.done $0x0  }
0x4f: {  	s23 =	simm.s32 @!p0 $0x14000;
	s22 =	simm.s32 @!p0 $0x0;
	[sflag:s20] =	ssyncadd.s32 $0xFFFFC000  }
0x50: {  	[tilespmem:s23], [sflag:$0x6] =	stream.linear.gather @!p0 [hbm4b:s9+s22], $0x80, $0x38;
	[tilespmem:$0x18100] =	vst v63  }
0x51: {  	s22 =	simm.s32 @!p0 $0x6  }
0x52: {  	_ =	swait.ge @!p0 [sflag:s22], $0x80  }
0x53: {  	[sflag:s22] =	ssyncset.done @!p0 $0x0  }
0x54: {  	s24 =	simm.s32 @!p0 $0x14100;
	[sflag:s22] =	ssyncadd.s32 @!p0 $0xFFFFFF80;
	s22 =	simm.s32 @!p0 $0x80  }
0x55: {  	[spmem:s3] =	stream.indirect.scatter.add.f32 @!p0 [tilespmem:s24], [sflag:$0x5], $0x80, s23, s22, $0xb8;
	[tilespmem:$0x18100] =	vst v63  }
0x56: {  	s22 =	simm.s32 @!p0 $0x5  }
0x57: {  	_ =	swait.ge @!p0 [sflag:s22], $0x4000  }
0x58: {  	s21 =	sadd.s32 $0x1, s21;
	[sflag:s22] =	ssyncset.done @!p0 $0x0  }
0x59: {  	p1 =	sne.s32 s21, s8;
	[sflag:s22] =	ssyncadd.s32 @!p0 $0xFFFFC000  }
.Ltmp1:
0x5a: {  	[bflag:$0x0] =	sbarrier.arrive $0xFFFF;
	(pc) =	sbr.rel @p1 .LBB2_1-.Ltmp1, $4  }
0x5b: {  	[hbm:s7], [sflag:s6] =	dma.local [spmem:s11], $0x2800  }
0x5c: {  	_ =	swait.ge [sflag:s12], $0x2800  }
0x5d: {  	[sflag:s12] =	ssyncset.done $0x0  }
0x5e: {  	[sflag:s12] =	ssyncadd.s32 $0xFFFFD800  }
0x5f: {  	_ =	sfence.sel $0x180000  }
0x60: {  	[bflag:$0x0] =	sbarrier.arrive $0xFFFF  }
0x61: {  	p0 =	sne.s32 s1, $0x0;
	_ =	strace $0x90000047  }
0x62: {  	s0 =	sadd.s32 @!p0 $0x100000, s0;
	[bflag:$0x2] =	sbarrier.arrive $0xFFFF  }
0x63: {  	[sflag:s0] =	ssyncadd.tile.s32 @!p0 $0x1;
	_ =	shalt  }
.Lfunc_end2:
_tile_overlayer_lowered:
.L_overlay_start_2:
0x64: {  	(tag) =	ssettag $0x2  }
0x65: {  	s0 =	rddreg [dreg:$0x0];
	s2 =	stileid.u32  }
0x66: {  	s1 =	rddreg [dreg:$0x1];
	p0 =	sne.s32 s2, $0x0  }
0x67: {  	s3 =	rddreg [dreg:$0x2];
	[bflag:$0x3] =	sbarrier.arrive $0xFFFF;
	s2 =	simm.s32 @!p0 $0x1C05  }
0x68: {  	[timem:s3], [sflag:s2] =	dma.local @!p0 [hbm:s0], s1  }
0x69: {  	s0 =	simm.s32 @!p0 $0x5  }
0x6a: {  	_ =	swait.ge @!p0 [sflag:s0], s1  }
0x6b: {  	s1 =	ssub.s32 @!p0 $0x0, s1;
	[sflag:s0] =	ssyncset.done @!p0 $0x0  }
0x6c: {  	[sflag:s0] =	ssyncadd.s32 @!p0 s1  }
0x6d: {  	[bflag:$0x3] =	sbarrier.arrive $0xFFFF  }
0x6e: {  	_ =	shalt  }

</sc_bundles>
